<compile_context>
chip_gen: v7x
topology: tpu7x:2x2x1
jax: 0.10.2.dev20260603
libtpu: 0.0.44.dev20260713+nightly
codegen_flags: <defaults>
</compile_context>

<pallas_src>
import jax
import jax.numpy as jnp
from jax import lax
from jax.experimental import pallas as pl
from jax.experimental.pallas import tpu as pltpu
from jax.experimental.pallas import tpu_sc as plsc

N = 10000
E = 320000
D = 128
NC = 2
NS = 16
NW = NC * NS
EPW = E // NW
CHUNK = 80
NCHUNK = EPW // CHUNK
RPT = 624
REM = N - NS * RPT
BLK = 1000
NBLK = N // BLK
NPAD = 10240

_f32 = jnp.float32

_mesh = plsc.VectorSubcoreMesh(
    core_axis_name="c", subcore_axis_name="s", num_cores=NC, num_subcores=NS)
_sc_params = pltpu.CompilerParams(needs_layout_passes=False)


def _make_sc_agg(with_deg):
  def body(table, zagg, src, dst, *rest):
    if with_deg:
      agg_out, deg_out, src_v, dst_v, rows_v, hist_v, sem, agg_sh = rest
    else:
      agg_out, src_v, dst_v, rows_v, sem, agg_sh = rest
    c = lax.axis_index("c")
    s = lax.axis_index("s")
    wid = c * NS + s
    ebase = wid * EPW

    rbase = s * RPT
    pltpu.sync_copy(zagg.at[pl.ds(rbase, RPT)], agg_sh.at[pl.ds(rbase, RPT)])

    @pl.when(s == NS - 1)
    def _zero_rem():
      eb = NS * RPT
      pltpu.sync_copy(zagg.at[pl.ds(eb, REM)], agg_sh.at[pl.ds(eb, REM)])

    if with_deg:
      def zero_hist(r, carry):
        hist_v[pl.ds(r * 16, 16)] = jnp.zeros((16,), _f32)
        return carry

      lax.fori_loop(0, NPAD // 16, zero_hist, 0)

    plsc.subcore_barrier()

    ones16 = jnp.ones((16,), _f32)

    def step(j, carry):
      pltpu.sync_copy(src.at[pl.ds(ebase + j * CHUNK, CHUNK)], src_v)
      pltpu.sync_copy(dst.at[pl.ds(ebase + j * CHUNK, CHUNK)], dst_v)
      pltpu.async_copy(table.at[src_v], rows_v, sem).wait()
      pltpu.sync_copy(rows_v, agg_sh.at[dst_v], add=True)
      if with_deg:
        def count(g, carry2):
          idx = dst_v[pl.ds(g * 16, 16)]
          plsc.addupdate_scatter(hist_v, [idx], ones16)
          return carry2

        lax.fori_loop(0, CHUNK // 16, count, 0)
      return carry

    lax.fori_loop(0, NCHUNK, step, 0)

    plsc.subcore_barrier()

    obase = c * N + rbase
    pltpu.sync_copy(agg_sh.at[pl.ds(rbase, RPT)], agg_out.at[pl.ds(obase, RPT)])

    @pl.when(s == NS - 1)
    def _write_rem():
      eb = NS * RPT
      pltpu.sync_copy(agg_sh.at[pl.ds(eb, REM)],
                      agg_out.at[pl.ds(c * N + eb, REM)])

    if with_deg:
      pltpu.sync_copy(hist_v, deg_out.at[wid])

  out_type = [jax.ShapeDtypeStruct((NC * N, D), _f32)]
  scratch = [
      pltpu.VMEM((CHUNK,), jnp.int32),
      pltpu.VMEM((CHUNK,), jnp.int32),
      pltpu.VMEM((CHUNK, D), _f32),
  ]
  if with_deg:
    out_type.append(jax.ShapeDtypeStruct((NW, NPAD), _f32))
    scratch.append(pltpu.VMEM((NPAD,), _f32))
  scratch += [pltpu.SemaphoreType.DMA, pltpu.VMEM_SHARED((N, D), _f32)]

  return pl.kernel(
      body,
      out_type=tuple(out_type) if with_deg else out_type[0],
      mesh=_mesh,
      compiler_params=_sc_params,
      scratch_types=scratch,
  )


_sc_agg_deg = _make_sc_agg(True)
_sc_agg = _make_sc_agg(False)


def _tc_deginv_body(dp, o):
  ones = jnp.ones((NW, 1), _f32)
  deg = lax.dot_general(dp[...], ones, (((0,), (0,)), ((), ())),
                        preferred_element_type=_f32)
  o[...] = 1.0 / jnp.maximum(deg, 1.0)


_tc_deginv = pl.pallas_call(
    _tc_deginv_body,
    in_specs=[pl.BlockSpec((NW, NPAD), lambda: (0, 0))],
    out_specs=pl.BlockSpec((NPAD, 1), lambda: (0, 0)),
    out_shape=jax.ShapeDtypeStruct((NPAD, 1), _f32),
)


def _tc_layer(relu):
  def body(a0, a1, inv_ref, x, wl, wr, b, o):
    mean = (a0[...] + a1[...]) * inv_ref[...]
    acc = (jnp.dot(mean, wl[...], preferred_element_type=_f32)
           + jnp.dot(x[...], wr[...], preferred_element_type=_f32)
           + b[...])
    o[...] = jnp.maximum(acc, 0.0) if relu else acc

  return pl.pallas_call(
      body,
      grid=(NBLK,),
      in_specs=[
          pl.BlockSpec((BLK, D), lambda i: (i, 0)),
          pl.BlockSpec((BLK, D), lambda i: (i + NBLK, 0)),
          pl.BlockSpec((BLK, 1), lambda i: (i, 0)),
          pl.BlockSpec((BLK, D), lambda i: (i, 0)),
          pl.BlockSpec((D, D), lambda i: (0, 0)),
          pl.BlockSpec((D, D), lambda i: (0, 0)),
          pl.BlockSpec((1, D), lambda i: (0, 0)),
      ],
      out_specs=pl.BlockSpec((BLK, D), lambda i: (i, 0)),
      out_shape=jax.ShapeDtypeStruct((N, D), _f32),
  )


_tc_relu = _tc_layer(True)
_tc_lin = _tc_layer(False)


def kernel(x, edge_index, W1_l, W1_r, b1, W2_l, W2_r, b2):
  src = edge_index[0]
  dst = edge_index[1]
  zagg = jnp.zeros((N, D), _f32)
  agg1, degp = _sc_agg_deg(x, zagg, src, dst)
  inv = _tc_deginv(degp)
  h = _tc_relu(agg1, agg1, inv, x, W1_l, W1_r, b1.reshape(1, D))
  agg2 = _sc_agg(h, zagg, src, dst)
  out = _tc_lin(agg2, agg2, inv, h, W2_l, W2_r, b2.reshape(1, D))
  return out

# --- scband reference (transcript-rebuilt; emitter-appended) ---
"""Pipeline reference for scband-graph-sage-1829656068114 (READ-ONLY COPY).

The authoritative reference and input builder live on the scoring server;
editing this copy changes nothing except your own understanding.
"""

import jax, jax.numpy as jnp
import numpy as np

N_NODES = 10000
N_EDGES = 320000
D_IN = 128
D_HID = 128
D_OUT = 128


def setup_inputs(seed: int = 0) -> dict:
    key = jax.random.key(seed)
    ks = jax.random.split(key, 9)
    x = jax.random.normal(ks[0], (N_NODES, D_IN), dtype=jnp.float32)
    edge_index = jax.random.randint(ks[1], (2, N_EDGES), 0, N_NODES, dtype=jnp.int64 if jax.config.jax_enable_x64 else jnp.int32).astype(jnp.int32)
    s1 = 1.0 / np.sqrt(D_IN)
    s2 = 1.0 / np.sqrt(D_HID)
    W1_l = jax.random.uniform(ks[2], (D_IN, D_HID), jnp.float32, -s1, s1)
    W1_r = jax.random.uniform(ks[3], (D_IN, D_HID), jnp.float32, -s1, s1)
    b1 = jax.random.uniform(ks[4], (D_HID,), jnp.float32, -s1, s1)
    W2_l = jax.random.uniform(ks[5], (D_HID, D_OUT), jnp.float32, -s2, s2)
    W2_r = jax.random.uniform(ks[6], (D_HID, D_OUT), jnp.float32, -s2, s2)
    b2 = jax.random.uniform(ks[7], (D_OUT,), jnp.float32, -s2, s2)
    return {"x": x, "edge_index": edge_index, "W1_l": W1_l, "W1_r": W1_r, "b1": b1, "W2_l": W2_l, "W2_r": W2_r, "b2": b2}


def _sage_conv(x, edge_index, W_l, W_r, b):
    # SAGEConv with mean aggregation: out_i = mean_{j->i}(x_j) @ W_l + x_i @ W_r + b
    src = edge_index[0]
    dst = edge_index[1]
    msgs = jnp.take(x, src, axis=0)                                   # gather  [E, d]
    agg = jax.ops.segment_sum(msgs, dst, num_segments=N_NODES)        # scatter-add [N, d]
    deg = jax.ops.segment_sum(jnp.ones((msgs.shape[0],), jnp.float32), dst, num_segments=N_NODES)
    mean = agg / jnp.clip(deg, 1.0, None)[:, None]
    return mean @ W_l + x @ W_r + b


def reference(x, edge_index, W1_l, W1_r, b1, W2_l, W2_r, b2):
    h = _sage_conv(x, edge_index, W1_l, W1_r, b1)
    h = jax.nn.relu(h)
    # dropout p=0.0 (add_dropout=False) -> identity
    out = _sage_conv(h, edge_index, W2_l, W2_r, b2)
    return out

if __name__ == "__main__":
    import jax
    _d = setup_inputs()
    print(jax.jit(kernel)(*tuple(_d.values())))

</pallas_src>

<mosaic_0001>
#map = affine_map<(d0, d1) -> (0, 0)>
#map1 = affine_map<(d0, d1) -> (0)>
module attributes {stable_mosaic.version = 14 : i64} {
  func.func @body(%arg0: i32, %arg1: i32, %arg2: memref<10000x128xf32, #tpu.memory_space<hbm>>, %arg3: memref<10000x128xf32, #tpu.memory_space<hbm>>, %arg4: memref<320000xi32, #tpu.memory_space<hbm>>, %arg5: memref<320000xi32, #tpu.memory_space<hbm>>, %arg6: memref<20000x128xf32, #tpu.memory_space<hbm>>, %arg7: memref<32x10240xf32, #tpu.memory_space<hbm>>, %arg8: memref<80xi32, #tpu.memory_space<vmem>>, %arg9: memref<80xi32, #tpu.memory_space<vmem>>, %arg10: memref<80x128xf32, #tpu.memory_space<vmem>>, %arg11: memref<10240xf32, #tpu.memory_space<vmem>>, %arg12: memref<!tpu.dma_semaphore, #tpu.memory_space<semaphore_mem>>, %arg13: memref<10000x128xf32, #tpu.memory_space<vmem_shared>>) attributes {dimension_semantics = [#tpu.dimension_semantics<core_parallel>, #tpu.dimension_semantics<subcore_parallel>], iteration_bounds = array<i64: 2, 16>, scalar_prefetch = 0 : i64, scratch_operands = 6 : i64, tpu.core_type = #tpu.core_type<sc_vector_subcore>, window_params = [{transform_indices = #map}, {transform_indices = #map}, {transform_indices = #map1}, {transform_indices = #map1}, {transform_indices = #map}, {transform_indices = #map}]} {
    %mul3A = arith.constant 16 : i32
    %mul3A_0 = arith.muli %arg0, %mul3A : i32
    %add3A = arith.addi %mul3A_0, %arg1 : i32
    %mul3A_1 = arith.constant 10000 : i32
    %mul3A_2 = arith.muli %add3A, %mul3A_1 : i32
    %mul3A_3 = arith.constant 624 : i32
    %mul3A_4 = arith.muli %arg1, %mul3A_3 : i32
    "tpu.region"() ({
      %run_scoped3A = tpu.sem_alloc : memref<!tpu.dma_semaphore, #tpu.memory_space<semaphore_mem>>
      %dma_start3A = arith.constant 0 : i32
      %dma_start3A_28 = tpu.memref_slice %arg13[%mul3A_4, %dma_start3A] : memref<10000x128xf32, #tpu.memory_space<vmem_shared>> -> memref<624x128xf32, #tpu.memory_space<vmem_shared>>
      %dma_start3A_29 = arith.constant 0 : i32
      %dma_start3A_30 = tpu.memref_slice %arg3[%mul3A_4, %dma_start3A_29] : memref<10000x128xf32, #tpu.memory_space<hbm>> -> memref<624x128xf32, #tpu.memory_space<hbm>>
      tpu.enqueue_dma source(%dma_start3A_30 : memref<624x128xf32, #tpu.memory_space<hbm>>) target(%dma_start3A_28 : memref<624x128xf32, #tpu.memory_space<vmem_shared>>) target_semaphore(%run_scoped3A : memref<!tpu.dma_semaphore, #tpu.memory_space<semaphore_mem>>)
      %dma_wait3A = arith.constant 0 : i32
      %dma_wait3A_31 = tpu.memref_slice %arg13[%mul3A_4, %dma_wait3A] : memref<10000x128xf32, #tpu.memory_space<vmem_shared>> -> memref<624x128xf32, #tpu.memory_space<vmem_shared>>
      %dma_wait3A_32 = arith.constant 0 : i32
      %dma_wait3A_33 = tpu.memref_slice %arg3[%mul3A_4, %dma_wait3A_32] : memref<10000x128xf32, #tpu.memory_space<hbm>> -> memref<624x128xf32, #tpu.memory_space<hbm>>
      tpu.wait_dma2 semaphore(%run_scoped3A : memref<!tpu.dma_semaphore, #tpu.memory_space<semaphore_mem>>) src(%dma_wait3A_33 : memref<624x128xf32, #tpu.memory_space<hbm>>) dst(%dma_wait3A_31 : memref<624x128xf32, #tpu.memory_space<vmem_shared>>)
      tpu.yield
    }) : () -> ()
    %eq3A = arith.constant 15 : i32
    %eq3A_5 = arith.cmpi eq, %arg1, %eq3A : i32
    %convert_element_type3A = arith.extui %eq3A_5 : i1 to i32
    %cond3A = arith.constant 0 : i32
    %cond3A_6 = arith.cmpi ne, %convert_element_type3A, %cond3A : i32
    scf.if %cond3A_6 {
      "tpu.region"() ({
        %run_scoped3A = tpu.sem_alloc : memref<!tpu.dma_semaphore, #tpu.memory_space<semaphore_mem>>
        %dma_start3A = arith.constant 9984 : i32
        %dma_start3A_28 = arith.constant 0 : i32
        %dma_start3A_29 = tpu.memref_slice %arg13[%dma_start3A, %dma_start3A_28] : memref<10000x128xf32, #tpu.memory_space<vmem_shared>> -> memref<16x128xf32, #tpu.memory_space<vmem_shared>>
        %dma_start3A_30 = arith.constant 9984 : i32
        %dma_start3A_31 = arith.constant 0 : i32
        %dma_start3A_32 = tpu.memref_slice %arg3[%dma_start3A_30, %dma_start3A_31] : memref<10000x128xf32, #tpu.memory_space<hbm>> -> memref<16x128xf32, #tpu.memory_space<hbm>>
        tpu.enqueue_dma source(%dma_start3A_32 : memref<16x128xf32, #tpu.memory_space<hbm>>) target(%dma_start3A_29 : memref<16x128xf32, #tpu.memory_space<vmem_shared>>) target_semaphore(%run_scoped3A : memref<!tpu.dma_semaphore, #tpu.memory_space<semaphore_mem>>)
        %dma_wait3A = arith.constant 9984 : i32
        %dma_wait3A_33 = arith.constant 0 : i32
        %dma_wait3A_34 = tpu.memref_slice %arg13[%dma_wait3A, %dma_wait3A_33] : memref<10000x128xf32, #tpu.memory_space<vmem_shared>> -> memref<16x128xf32, #tpu.memory_space<vmem_shared>>
        %dma_wait3A_35 = arith.constant 9984 : i32
        %dma_wait3A_36 = arith.constant 0 : i32
        %dma_wait3A_37 = tpu.memref_slice %arg3[%dma_wait3A_35, %dma_wait3A_36] : memref<10000x128xf32, #tpu.memory_space<hbm>> -> memref<16x128xf32, #tpu.memory_space<hbm>>
        tpu.wait_dma2 semaphore(%run_scoped3A : memref<!tpu.dma_semaphore, #tpu.memory_space<semaphore_mem>>) src(%dma_wait3A_37 : memref<16x128xf32, #tpu.memory_space<hbm>>) dst(%dma_wait3A_34 : memref<16x128xf32, #tpu.memory_space<vmem_shared>>)
        tpu.yield
      }) : () -> ()
    } else {
    }
    %scan3A = arith.constant 0 : i32
    %scan3A_7 = arith.constant 0 : i32
    %scan3A_8 = arith.constant 640 : i32
    %scan3A_9 = arith.addi %scan3A_7, %scan3A_8 : i32
    %scan3A_10 = arith.constant 1 : i32
    scf.for %scan3A_28 = %scan3A_7 to %scan3A_9 step %scan3A_10  : i32 {
      %broadcast_in_dim3A_29 = arith.constant 0.000000e+00 : f32
      %broadcast_in_dim3A_30 = vector.broadcast %broadcast_in_dim3A_29 : f32 to vector<16xf32>
      %mul3A_31 = arith.constant 16 : i32
      %mul3A_32 = arith.muli %scan3A_28, %mul3A_31 : i32
      %swap3A = arith.index_cast %mul3A_32 : i32 to index
      %swap3A_33 = tpu.vector_load %arg11[%swap3A] {strides = array<i32>} : memref<10240xf32, #tpu.memory_space<vmem>>, vector<16xf32>,
      tpu.vector_store %arg11[%swap3A], %broadcast_in_dim3A_30 {strides = array<i32>} : memref<10240xf32, #tpu.memory_space<vmem>>, vector<16xf32>,
    }
    %scan3A_11 = arith.constant 640 : i32
    %barrier3A = arith.constant 0 : index
    tpu.barrier barrier_id(%barrier3A)
    %broadcast_in_dim3A = arith.constant 1.000000e+00 : f32
    %broadcast_in_dim3A_12 = vector.broadcast %broadcast_in_dim3A : f32 to vector<16xf32>
    %scan3A_13 = arith.constant 0 : i32
    %scan3A_14 = arith.constant 0 : i32
    %scan3A_15 = arith.constant 125 : i32
    %scan3A_16 = arith.addi %scan3A_14, %scan3A_15 : i32
    %scan3A_17 = arith.constant 1 : i32
    scf.for %scan3A_28 = %scan3A_14 to %scan3A_16 step %scan3A_17  : i32 {
      %mul3A_29 = arith.constant 80 : i32
      %mul3A_30 = arith.muli %scan3A_28, %mul3A_29 : i32
      %add3A_31 = arith.addi %mul3A_2, %mul3A_30 : i32
      "tpu.region"() ({
        %run_scoped3A = tpu.sem_alloc : memref<!tpu.dma_semaphore, #tpu.memory_space<semaphore_mem>>
        %dma_start3A_45 = tpu.memref_slice %arg4[%add3A_31] : memref<320000xi32, #tpu.memory_space<hbm>> -> memref<80xi32, #tpu.memory_space<hbm>>
        %dma_start3A_46 = tpu.memref_slice %arg4[%add3A_31] : memref<320000xi32, #tpu.memory_space<hbm>> -> memref<80xi32, #tpu.memory_space<hbm>>
        tpu.enqueue_dma source(%dma_start3A_46 : memref<80xi32, #tpu.memory_space<hbm>>) target(%arg8 : memref<80xi32, #tpu.memory_space<vmem>>) target_semaphore(%run_scoped3A : memref<!tpu.dma_semaphore, #tpu.memory_space<semaphore_mem>>)
        %dma_wait3A_47 = tpu.memref_slice %arg4[%add3A_31] : memref<320000xi32, #tpu.memory_space<hbm>> -> memref<80xi32, #tpu.memory_space<hbm>>
        %dma_wait3A_48 = tpu.memref_slice %arg4[%add3A_31] : memref<320000xi32, #tpu.memory_space<hbm>> -> memref<80xi32, #tpu.memory_space<hbm>>
        tpu.wait_dma2 semaphore(%run_scoped3A : memref<!tpu.dma_semaphore, #tpu.memory_space<semaphore_mem>>) src(%dma_wait3A_48 : memref<80xi32, #tpu.memory_space<hbm>>) dst(%arg8 : memref<80xi32, #tpu.memory_space<vmem>>)
        tpu.yield
      }) : () -> ()
      %mul3A_32 = arith.constant 80 : i32
      %mul3A_33 = arith.muli %scan3A_28, %mul3A_32 : i32
      %add3A_34 = arith.addi %mul3A_2, %mul3A_33 : i32
      "tpu.region"() ({
        %run_scoped3A = tpu.sem_alloc : memref<!tpu.dma_semaphore, #tpu.memory_space<semaphore_mem>>
        %dma_start3A_45 = tpu.memref_slice %arg5[%add3A_34] : memref<320000xi32, #tpu.memory_space<hbm>> -> memref<80xi32, #tpu.memory_space<hbm>>
        %dma_start3A_46 = tpu.memref_slice %arg5[%add3A_34] : memref<320000xi32, #tpu.memory_space<hbm>> -> memref<80xi32, #tpu.memory_space<hbm>>
        tpu.enqueue_dma source(%dma_start3A_46 : memref<80xi32, #tpu.memory_space<hbm>>) target(%arg9 : memref<80xi32, #tpu.memory_space<vmem>>) target_semaphore(%run_scoped3A : memref<!tpu.dma_semaphore, #tpu.memory_space<semaphore_mem>>)
        %dma_wait3A_47 = tpu.memref_slice %arg5[%add3A_34] : memref<320000xi32, #tpu.memory_space<hbm>> -> memref<80xi32, #tpu.memory_space<hbm>>
        %dma_wait3A_48 = tpu.memref_slice %arg5[%add3A_34] : memref<320000xi32, #tpu.memory_space<hbm>> -> memref<80xi32, #tpu.memory_space<hbm>>
        tpu.wait_dma2 semaphore(%run_scoped3A : memref<!tpu.dma_semaphore, #tpu.memory_space<semaphore_mem>>) src(%dma_wait3A_48 : memref<80xi32, #tpu.memory_space<hbm>>) dst(%arg9 : memref<80xi32, #tpu.memory_space<vmem>>)
        tpu.yield
      }) : () -> ()
      %dma_start3A = arith.constant 0 : i32
      %dma_start3A_35 = arith.constant 0 : i32
      %dma_start3A_36 = tpu.memref_slice %arg2[%dma_start3A, %dma_start3A_35] : memref<10000x128xf32, #tpu.memory_space<hbm>> -> memref<10000x128xf32, #tpu.memory_space<hbm>>
      tpu.enqueue_indirect_dma source(%dma_start3A_36 : memref<10000x128xf32, #tpu.memory_space<hbm>>) target(%arg10 : memref<80x128xf32, #tpu.memory_space<vmem>>) offsets(%arg8 : memref<80xi32, #tpu.memory_space<vmem>>) semaphore(%arg12 : memref<!tpu.dma_semaphore, #tpu.memory_space<semaphore_mem>>)
      %dma_wait3A = arith.constant 0 : i32
      %dma_wait3A_37 = arith.constant 0 : i32
      %dma_wait3A_38 = tpu.memref_slice %arg2[%dma_wait3A, %dma_wait3A_37] : memref<10000x128xf32, #tpu.memory_space<hbm>> -> memref<10000x128xf32, #tpu.memory_space<hbm>>
      tpu.wait_indirect_dma semaphore(%arg12 : memref<!tpu.dma_semaphore, #tpu.memory_space<semaphore_mem>>) src(%dma_wait3A_38 : memref<10000x128xf32, #tpu.memory_space<hbm>>) dst(%arg10 : memref<80x128xf32, #tpu.memory_space<vmem>>)
      "tpu.region"() ({
        %run_scoped3A = tpu.sem_alloc : memref<!tpu.dma_semaphore, #tpu.memory_space<semaphore_mem>>
        %dma_start3A_45 = arith.constant 0 : i32
        %dma_start3A_46 = arith.constant 0 : i32
        %dma_start3A_47 = tpu.memref_slice %arg13[%dma_start3A_45, %dma_start3A_46] : memref<10000x128xf32, #tpu.memory_space<vmem_shared>> -> memref<10000x128xf32, #tpu.memory_space<vmem_shared>>
        tpu.enqueue_indirect_dma source(%arg10 : memref<80x128xf32, #tpu.memory_space<vmem>>) target(%dma_start3A_47 : memref<10000x128xf32, #tpu.memory_space<vmem_shared>>) offsets(%arg9 : memref<80xi32, #tpu.memory_space<vmem>>) semaphore(%run_scoped3A : memref<!tpu.dma_semaphore, #tpu.memory_space<semaphore_mem>>) {add = true}
        %dma_wait3A_48 = arith.constant 0 : i32
        %dma_wait3A_49 = arith.constant 0 : i32
        %dma_wait3A_50 = tpu.memref_slice %arg13[%dma_wait3A_48, %dma_wait3A_49] : memref<10000x128xf32, #tpu.memory_space<vmem_shared>> -> memref<10000x128xf32, #tpu.memory_space<vmem_shared>>
        tpu.wait_indirect_dma semaphore(%run_scoped3A : memref<!tpu.dma_semaphore, #tpu.memory_space<semaphore_mem>>) src(%arg10 : memref<80x128xf32, #tpu.memory_space<vmem>>) dst(%dma_wait3A_50 : memref<10000x128xf32, #tpu.memory_space<vmem_shared>>)
        tpu.yield
      }) : () -> ()
      %scan3A_39 = arith.constant 0 : i32
      %scan3A_40 = arith.constant 0 : i32
      %scan3A_41 = arith.constant 5 : i32
      %scan3A_42 = arith.addi %scan3A_40, %scan3A_41 : i32
      %scan3A_43 = arith.constant 1 : i32
      scf.for %scan3A_45 = %scan3A_40 to %scan3A_42 step %scan3A_43  : i32 {
        %mul3A_46 = arith.constant 16 : i32
        %mul3A_47 = arith.muli %scan3A_45, %mul3A_46 : i32
        %get3A = arith.index_cast %mul3A_47 : i32 to index
        %get3A_48 = tpu.vector_load %arg9[%get3A] {strides = array<i32>} : memref<80xi32, #tpu.memory_space<vmem>>, vector<16xi32>,
        tpu.vector_store_idx %arg11[%get3A_48], %broadcast_in_dim3A_12 {add = true} : memref<10240xf32, #tpu.memory_space<vmem>>[vector<16xi32>], vector<16xf32>,
      }
      %scan3A_44 = arith.constant 5 : i32
    }
    %scan3A_18 = arith.constant 125 : i32
    %barrier3A_19 = arith.constant 0 : index
    tpu.barrier barrier_id(%barrier3A_19)
    %mul3A_20 = arith.constant 10000 : i32
    %mul3A_21 = arith.muli %arg0, %mul3A_20 : i32
    %add3A_22 = arith.addi %mul3A_21, %mul3A_4 : i32
    "tpu.region"() ({
      %run_scoped3A = tpu.sem_alloc : memref<!tpu.dma_semaphore, #tpu.memory_space<semaphore_mem>>
      %dma_start3A = arith.constant 0 : i32
      %dma_start3A_28 = tpu.memref_slice %arg6[%add3A_22, %dma_start3A] : memref<20000x128xf32, #tpu.memory_space<hbm>> -> memref<624x128xf32, #tpu.memory_space<hbm>>
      %dma_start3A_29 = arith.constant 0 : i32
      %dma_start3A_30 = tpu.memref_slice %arg13[%mul3A_4, %dma_start3A_29] : memref<10000x128xf32, #tpu.memory_space<vmem_shared>> -> memref<624x128xf32, #tpu.memory_space<vmem_shared>>
      tpu.enqueue_dma source(%dma_start3A_30 : memref<624x128xf32, #tpu.memory_space<vmem_shared>>) target(%dma_start3A_28 : memref<624x128xf32, #tpu.memory_space<hbm>>) target_semaphore(%run_scoped3A : memref<!tpu.dma_semaphore, #tpu.memory_space<semaphore_mem>>)
      %dma_wait3A = arith.constant 0 : i32
      %dma_wait3A_31 = tpu.memref_slice %arg6[%add3A_22, %dma_wait3A] : memref<20000x128xf32, #tpu.memory_space<hbm>> -> memref<624x128xf32, #tpu.memory_space<hbm>>
      %dma_wait3A_32 = arith.constant 0 : i32
      %dma_wait3A_33 = tpu.memref_slice %arg13[%mul3A_4, %dma_wait3A_32] : memref<10000x128xf32, #tpu.memory_space<vmem_shared>> -> memref<624x128xf32, #tpu.memory_space<vmem_shared>>
      tpu.wait_dma2 semaphore(%run_scoped3A : memref<!tpu.dma_semaphore, #tpu.memory_space<semaphore_mem>>) src(%dma_wait3A_33 : memref<624x128xf32, #tpu.memory_space<vmem_shared>>) dst(%dma_wait3A_31 : memref<624x128xf32, #tpu.memory_space<hbm>>)
      tpu.yield
    }) : () -> ()
    %eq3A_23 = arith.constant 15 : i32
    %eq3A_24 = arith.cmpi eq, %arg1, %eq3A_23 : i32
    %convert_element_type3A_25 = arith.extui %eq3A_24 : i1 to i32
    %cond3A_26 = arith.constant 0 : i32
    %cond3A_27 = arith.cmpi ne, %convert_element_type3A_25, %cond3A_26 : i32
    scf.if %cond3A_27 {
      %mul3A_28 = arith.constant 10000 : i32
      %mul3A_29 = arith.muli %arg0, %mul3A_28 : i32
      %add3A_30 = arith.constant 9984 : i32
      %add3A_31 = arith.addi %mul3A_29, %add3A_30 : i32
      "tpu.region"() ({
        %run_scoped3A = tpu.sem_alloc : memref<!tpu.dma_semaphore, #tpu.memory_space<semaphore_mem>>
        %dma_start3A = arith.constant 0 : i32
        %dma_start3A_32 = tpu.memref_slice %arg6[%add3A_31, %dma_start3A] : memref<20000x128xf32, #tpu.memory_space<hbm>> -> memref<16x128xf32, #tpu.memory_space<hbm>>
        %dma_start3A_33 = arith.constant 9984 : i32
        %dma_start3A_34 = arith.constant 0 : i32
        %dma_start3A_35 = tpu.memref_slice %arg13[%dma_start3A_33, %dma_start3A_34] : memref<10000x128xf32, #tpu.memory_space<vmem_shared>> -> memref<16x128xf32, #tpu.memory_space<vmem_shared>>
        tpu.enqueue_dma source(%dma_start3A_35 : memref<16x128xf32, #tpu.memory_space<vmem_shared>>) target(%dma_start3A_32 : memref<16x128xf32, #tpu.memory_space<hbm>>) target_semaphore(%run_scoped3A : memref<!tpu.dma_semaphore, #tpu.memory_space<semaphore_mem>>)
        %dma_wait3A = arith.constant 0 : i32
        %dma_wait3A_36 = tpu.memref_slice %arg6[%add3A_31, %dma_wait3A] : memref<20000x128xf32, #tpu.memory_space<hbm>> -> memref<16x128xf32, #tpu.memory_space<hbm>>
        %dma_wait3A_37 = arith.constant 9984 : i32
        %dma_wait3A_38 = arith.constant 0 : i32
        %dma_wait3A_39 = tpu.memref_slice %arg13[%dma_wait3A_37, %dma_wait3A_38] : memref<10000x128xf32, #tpu.memory_space<vmem_shared>> -> memref<16x128xf32, #tpu.memory_space<vmem_shared>>
        tpu.wait_dma2 semaphore(%run_scoped3A : memref<!tpu.dma_semaphore, #tpu.memory_space<semaphore_mem>>) src(%dma_wait3A_39 : memref<16x128xf32, #tpu.memory_space<vmem_shared>>) dst(%dma_wait3A_36 : memref<16x128xf32, #tpu.memory_space<hbm>>)
        tpu.yield
      }) : () -> ()
    } else {
    }
    "tpu.region"() ({
      %run_scoped3A = tpu.sem_alloc : memref<!tpu.dma_semaphore, #tpu.memory_space<semaphore_mem>>
      %dma_start3A = arith.constant 0 : i32
      %dma_start3A_28 = tpu.memref_slice %arg7[%add3A, %dma_start3A] : memref<32x10240xf32, #tpu.memory_space<hbm>> -> memref<1x10240xf32, #tpu.memory_space<hbm>>
      %dma_start3A_29 = tpu.memref_squeeze %dma_start3A_28 : memref<1x10240xf32, #tpu.memory_space<hbm>> -> memref<10240xf32, #tpu.memory_space<hbm>>
      %dma_start3A_30 = arith.constant 0 : i32
      %dma_start3A_31 = tpu.memref_slice %arg7[%add3A, %dma_start3A_30] : memref<32x10240xf32, #tpu.memory_space<hbm>> -> memref<1x10240xf32, #tpu.memory_space<hbm>>
      %dma_start3A_32 = tpu.memref_squeeze %dma_start3A_31 : memref<1x10240xf32, #tpu.memory_space<hbm>> -> memref<10240xf32, #tpu.memory_space<hbm>>
      tpu.enqueue_dma source(%arg11 : memref<10240xf32, #tpu.memory_space<vmem>>) target(%dma_start3A_32 : memref<10240xf32, #tpu.memory_space<hbm>>) target_semaphore(%run_scoped3A : memref<!tpu.dma_semaphore, #tpu.memory_space<semaphore_mem>>)
      %dma_wait3A = arith.constant 0 : i32
      %dma_wait3A_33 = tpu.memref_slice %arg7[%add3A, %dma_wait3A] : memref<32x10240xf32, #tpu.memory_space<hbm>> -> memref<1x10240xf32, #tpu.memory_space<hbm>>
      %dma_wait3A_34 = tpu.memref_squeeze %dma_wait3A_33 : memref<1x10240xf32, #tpu.memory_space<hbm>> -> memref<10240xf32, #tpu.memory_space<hbm>>
      %dma_wait3A_35 = arith.constant 0 : i32
      %dma_wait3A_36 = tpu.memref_slice %arg7[%add3A, %dma_wait3A_35] : memref<32x10240xf32, #tpu.memory_space<hbm>> -> memref<1x10240xf32, #tpu.memory_space<hbm>>
      %dma_wait3A_37 = tpu.memref_squeeze %dma_wait3A_36 : memref<1x10240xf32, #tpu.memory_space<hbm>> -> memref<10240xf32, #tpu.memory_space<hbm>>
      tpu.wait_dma2 semaphore(%run_scoped3A : memref<!tpu.dma_semaphore, #tpu.memory_space<semaphore_mem>>) src(%arg11 : memref<10240xf32, #tpu.memory_space<vmem>>) dst(%dma_wait3A_37 : memref<10240xf32, #tpu.memory_space<hbm>>)
      tpu.yield
    }) : () -> ()
    return
  }
}

#map = affine_map<(d0, d1) -> (0, 0)>
#map1 = affine_map<(d0, d1) -> (0)>
module attributes {stable_mosaic.version = 14 : i64} {
  func.func @body(%arg0: i32, %arg1: i32, %arg2: memref<10000x128xf32, #tpu.memory_space<hbm>>, %arg3: memref<10000x128xf32, #tpu.memory_space<hbm>>, %arg4: memref<320000xi32, #tpu.memory_space<hbm>>, %arg5: memref<320000xi32, #tpu.memory_space<hbm>>, %arg6: memref<20000x128xf32, #tpu.memory_space<hbm>>, %arg7: memref<80xi32, #tpu.memory_space<vmem>>, %arg8: memref<80xi32, #tpu.memory_space<vmem>>, %arg9: memref<80x128xf32, #tpu.memory_space<vmem>>, %arg10: memref<!tpu.dma_semaphore, #tpu.memory_space<semaphore_mem>>, %arg11: memref<10000x128xf32, #tpu.memory_space<vmem_shared>>) attributes {dimension_semantics = [#tpu.dimension_semantics<core_parallel>, #tpu.dimension_semantics<subcore_parallel>], iteration_bounds = array<i64: 2, 16>, scalar_prefetch = 0 : i64, scratch_operands = 5 : i64, tpu.core_type = #tpu.core_type<sc_vector_subcore>, window_params = [{transform_indices = #map}, {transform_indices = #map}, {transform_indices = #map1}, {transform_indices = #map1}, {transform_indices = #map}]} {
    %mul3A = arith.constant 16 : i32
    %mul3A_0 = arith.muli %arg0, %mul3A : i32
    %add3A = arith.addi %mul3A_0, %arg1 : i32
    %mul3A_1 = arith.constant 10000 : i32
    %mul3A_2 = arith.muli %add3A, %mul3A_1 : i32
    %mul3A_3 = arith.constant 624 : i32
    %mul3A_4 = arith.muli %arg1, %mul3A_3 : i32
    "tpu.region"() ({
      %run_scoped3A = tpu.sem_alloc : memref<!tpu.dma_semaphore, #tpu.memory_space<semaphore_mem>>
      %dma_start3A = arith.constant 0 : i32
      %dma_start3A_22 = tpu.memref_slice %arg11[%mul3A_4, %dma_start3A] : memref<10000x128xf32, #tpu.memory_space<vmem_shared>> -> memref<624x128xf32, #tpu.memory_space<vmem_shared>>
      %dma_start3A_23 = arith.constant 0 : i32
      %dma_start3A_24 = tpu.memref_slice %arg3[%mul3A_4, %dma_start3A_23] : memref<10000x128xf32, #tpu.memory_space<hbm>> -> memref<624x128xf32, #tpu.memory_space<hbm>>
      tpu.enqueue_dma source(%dma_start3A_24 : memref<624x128xf32, #tpu.memory_space<hbm>>) target(%dma_start3A_22 : memref<624x128xf32, #tpu.memory_space<vmem_shared>>) target_semaphore(%run_scoped3A : memref<!tpu.dma_semaphore, #tpu.memory_space<semaphore_mem>>)
      %dma_wait3A = arith.constant 0 : i32
      %dma_wait3A_25 = tpu.memref_slice %arg11[%mul3A_4, %dma_wait3A] : memref<10000x128xf32, #tpu.memory_space<vmem_shared>> -> memref<624x128xf32, #tpu.memory_space<vmem_shared>>
      %dma_wait3A_26 = arith.constant 0 : i32
      %dma_wait3A_27 = tpu.memref_slice %arg3[%mul3A_4, %dma_wait3A_26] : memref<10000x128xf32, #tpu.memory_space<hbm>> -> memref<624x128xf32, #tpu.memory_space<hbm>>
      tpu.wait_dma2 semaphore(%run_scoped3A : memref<!tpu.dma_semaphore, #tpu.memory_space<semaphore_mem>>) src(%dma_wait3A_27 : memref<624x128xf32, #tpu.memory_space<hbm>>) dst(%dma_wait3A_25 : memref<624x128xf32, #tpu.memory_space<vmem_shared>>)
      tpu.yield
    }) : () -> ()
    %eq3A = arith.constant 15 : i32
    %eq3A_5 = arith.cmpi eq, %arg1, %eq3A : i32
    %convert_element_type3A = arith.extui %eq3A_5 : i1 to i32
    %cond3A = arith.constant 0 : i32
    %cond3A_6 = arith.cmpi ne, %convert_element_type3A, %cond3A : i32
    scf.if %cond3A_6 {
      "tpu.region"() ({
        %run_scoped3A = tpu.sem_alloc : memref<!tpu.dma_semaphore, #tpu.memory_space<semaphore_mem>>
        %dma_start3A = arith.constant 9984 : i32
        %dma_start3A_22 = arith.constant 0 : i32
        %dma_start3A_23 = tpu.memref_slice %arg11[%dma_start3A, %dma_start3A_22] : memref<10000x128xf32, #tpu.memory_space<vmem_shared>> -> memref<16x128xf32, #tpu.memory_space<vmem_shared>>
        %dma_start3A_24 = arith.constant 9984 : i32
        %dma_start3A_25 = arith.constant 0 : i32
        %dma_start3A_26 = tpu.memref_slice %arg3[%dma_start3A_24, %dma_start3A_25] : memref<10000x128xf32, #tpu.memory_space<hbm>> -> memref<16x128xf32, #tpu.memory_space<hbm>>
        tpu.enqueue_dma source(%dma_start3A_26 : memref<16x128xf32, #tpu.memory_space<hbm>>) target(%dma_start3A_23 : memref<16x128xf32, #tpu.memory_space<vmem_shared>>) target_semaphore(%run_scoped3A : memref<!tpu.dma_semaphore, #tpu.memory_space<semaphore_mem>>)
        %dma_wait3A = arith.constant 9984 : i32
        %dma_wait3A_27 = arith.constant 0 : i32
        %dma_wait3A_28 = tpu.memref_slice %arg11[%dma_wait3A, %dma_wait3A_27] : memref<10000x128xf32, #tpu.memory_space<vmem_shared>> -> memref<16x128xf32, #tpu.memory_space<vmem_shared>>
        %dma_wait3A_29 = arith.constant 9984 : i32
        %dma_wait3A_30 = arith.constant 0 : i32
        %dma_wait3A_31 = tpu.memref_slice %arg3[%dma_wait3A_29, %dma_wait3A_30] : memref<10000x128xf32, #tpu.memory_space<hbm>> -> memref<16x128xf32, #tpu.memory_space<hbm>>
        tpu.wait_dma2 semaphore(%run_scoped3A : memref<!tpu.dma_semaphore, #tpu.memory_space<semaphore_mem>>) src(%dma_wait3A_31 : memref<16x128xf32, #tpu.memory_space<hbm>>) dst(%dma_wait3A_28 : memref<16x128xf32, #tpu.memory_space<vmem_shared>>)
        tpu.yield
      }) : () -> ()
    } else {
    }
    %barrier3A = arith.constant 0 : index
    tpu.barrier barrier_id(%barrier3A)
    %broadcast_in_dim3A = arith.constant 1.000000e+00 : f32
    %broadcast_in_dim3A_7 = vector.broadcast %broadcast_in_dim3A : f32 to vector<16xf32>
    %scan3A = arith.constant 0 : i32
    %scan3A_8 = arith.constant 0 : i32
    %scan3A_9 = arith.constant 125 : i32
    %scan3A_10 = arith.addi %scan3A_8, %scan3A_9 : i32
    %scan3A_11 = arith.constant 1 : i32
    scf.for %scan3A_22 = %scan3A_8 to %scan3A_10 step %scan3A_11  : i32 {
      %mul3A_23 = arith.constant 80 : i32
      %mul3A_24 = arith.muli %scan3A_22, %mul3A_23 : i32
      %add3A_25 = arith.addi %mul3A_2, %mul3A_24 : i32
      "tpu.region"() ({
        %run_scoped3A = tpu.sem_alloc : memref<!tpu.dma_semaphore, #tpu.memory_space<semaphore_mem>>
        %dma_start3A_33 = tpu.memref_slice %arg4[%add3A_25] : memref<320000xi32, #tpu.memory_space<hbm>> -> memref<80xi32, #tpu.memory_space<hbm>>
        %dma_start3A_34 = tpu.memref_slice %arg4[%add3A_25] : memref<320000xi32, #tpu.memory_space<hbm>> -> memref<80xi32, #tpu.memory_space<hbm>>
        tpu.enqueue_dma source(%dma_start3A_34 : memref<80xi32, #tpu.memory_space<hbm>>) target(%arg7 : memref<80xi32, #tpu.memory_space<vmem>>) target_semaphore(%run_scoped3A : memref<!tpu.dma_semaphore, #tpu.memory_space<semaphore_mem>>)
        %dma_wait3A_35 = tpu.memref_slice %arg4[%add3A_25] : memref<320000xi32, #tpu.memory_space<hbm>> -> memref<80xi32, #tpu.memory_space<hbm>>
        %dma_wait3A_36 = tpu.memref_slice %arg4[%add3A_25] : memref<320000xi32, #tpu.memory_space<hbm>> -> memref<80xi32, #tpu.memory_space<hbm>>
        tpu.wait_dma2 semaphore(%run_scoped3A : memref<!tpu.dma_semaphore, #tpu.memory_space<semaphore_mem>>) src(%dma_wait3A_36 : memref<80xi32, #tpu.memory_space<hbm>>) dst(%arg7 : memref<80xi32, #tpu.memory_space<vmem>>)
        tpu.yield
      }) : () -> ()
      %mul3A_26 = arith.constant 80 : i32
      %mul3A_27 = arith.muli %scan3A_22, %mul3A_26 : i32
      %add3A_28 = arith.addi %mul3A_2, %mul3A_27 : i32
      "tpu.region"() ({
        %run_scoped3A = tpu.sem_alloc : memref<!tpu.dma_semaphore, #tpu.memory_space<semaphore_mem>>
        %dma_start3A_33 = tpu.memref_slice %arg5[%add3A_28] : memref<320000xi32, #tpu.memory_space<hbm>> -> memref<80xi32, #tpu.memory_space<hbm>>
        %dma_start3A_34 = tpu.memref_slice %arg5[%add3A_28] : memref<320000xi32, #tpu.memory_space<hbm>> -> memref<80xi32, #tpu.memory_space<hbm>>
        tpu.enqueue_dma source(%dma_start3A_34 : memref<80xi32, #tpu.memory_space<hbm>>) target(%arg8 : memref<80xi32, #tpu.memory_space<vmem>>) target_semaphore(%run_scoped3A : memref<!tpu.dma_semaphore, #tpu.memory_space<semaphore_mem>>)
        %dma_wait3A_35 = tpu.memref_slice %arg5[%add3A_28] : memref<320000xi32, #tpu.memory_space<hbm>> -> memref<80xi32, #tpu.memory_space<hbm>>
        %dma_wait3A_36 = tpu.memref_slice %arg5[%add3A_28] : memref<320000xi32, #tpu.memory_space<hbm>> -> memref<80xi32, #tpu.memory_space<hbm>>
        tpu.wait_dma2 semaphore(%run_scoped3A : memref<!tpu.dma_semaphore, #tpu.memory_space<semaphore_mem>>) src(%dma_wait3A_36 : memref<80xi32, #tpu.memory_space<hbm>>) dst(%arg8 : memref<80xi32, #tpu.memory_space<vmem>>)
        tpu.yield
      }) : () -> ()
      %dma_start3A = arith.constant 0 : i32
      %dma_start3A_29 = arith.constant 0 : i32
      %dma_start3A_30 = tpu.memref_slice %arg2[%dma_start3A, %dma_start3A_29] : memref<10000x128xf32, #tpu.memory_space<hbm>> -> memref<10000x128xf32, #tpu.memory_space<hbm>>
      tpu.enqueue_indirect_dma source(%dma_start3A_30 : memref<10000x128xf32, #tpu.memory_space<hbm>>) target(%arg9 : memref<80x128xf32, #tpu.memory_space<vmem>>) offsets(%arg7 : memref<80xi32, #tpu.memory_space<vmem>>) semaphore(%arg10 : memref<!tpu.dma_semaphore, #tpu.memory_space<semaphore_mem>>)
      %dma_wait3A = arith.constant 0 : i32
      %dma_wait3A_31 = arith.constant 0 : i32
      %dma_wait3A_32 = tpu.memref_slice %arg2[%dma_wait3A, %dma_wait3A_31] : memref<10000x128xf32, #tpu.memory_space<hbm>> -> memref<10000x128xf32, #tpu.memory_space<hbm>>
      tpu.wait_indirect_dma semaphore(%arg10 : memref<!tpu.dma_semaphore, #tpu.memory_space<semaphore_mem>>) src(%dma_wait3A_32 : memref<10000x128xf32, #tpu.memory_space<hbm>>) dst(%arg9 : memref<80x128xf32, #tpu.memory_space<vmem>>)
      "tpu.region"() ({
        %run_scoped3A = tpu.sem_alloc : memref<!tpu.dma_semaphore, #tpu.memory_space<semaphore_mem>>
        %dma_start3A_33 = arith.constant 0 : i32
        %dma_start3A_34 = arith.constant 0 : i32
        %dma_start3A_35 = tpu.memref_slice %arg11[%dma_start3A_33, %dma_start3A_34] : memref<10000x128xf32, #tpu.memory_space<vmem_shared>> -> memref<10000x128xf32, #tpu.memory_space<vmem_shared>>
        tpu.enqueue_indirect_dma source(%arg9 : memref<80x128xf32, #tpu.memory_space<vmem>>) target(%dma_start3A_35 : memref<10000x128xf32, #tpu.memory_space<vmem_shared>>) offsets(%arg8 : memref<80xi32, #tpu.memory_space<vmem>>) semaphore(%run_scoped3A : memref<!tpu.dma_semaphore, #tpu.memory_space<semaphore_mem>>) {add = true}
        %dma_wait3A_36 = arith.constant 0 : i32
        %dma_wait3A_37 = arith.constant 0 : i32
        %dma_wait3A_38 = tpu.memref_slice %arg11[%dma_wait3A_36, %dma_wait3A_37] : memref<10000x128xf32, #tpu.memory_space<vmem_shared>> -> memref<10000x128xf32, #tpu.memory_space<vmem_shared>>
        tpu.wait_indirect_dma semaphore(%run_scoped3A : memref<!tpu.dma_semaphore, #tpu.memory_space<semaphore_mem>>) src(%arg9 : memref<80x128xf32, #tpu.memory_space<vmem>>) dst(%dma_wait3A_38 : memref<10000x128xf32, #tpu.memory_space<vmem_shared>>)
        tpu.yield
      }) : () -> ()
    }
    %scan3A_12 = arith.constant 125 : i32
    %barrier3A_13 = arith.constant 0 : index
    tpu.barrier barrier_id(%barrier3A_13)
    %mul3A_14 = arith.constant 10000 : i32
    %mul3A_15 = arith.muli %arg0, %mul3A_14 : i32
    %add3A_16 = arith.addi %mul3A_15, %mul3A_4 : i32
    "tpu.region"() ({
      %run_scoped3A = tpu.sem_alloc : memref<!tpu.dma_semaphore, #tpu.memory_space<semaphore_mem>>
      %dma_start3A = arith.constant 0 : i32
      %dma_start3A_22 = tpu.memref_slice %arg6[%add3A_16, %dma_start3A] : memref<20000x128xf32, #tpu.memory_space<hbm>> -> memref<624x128xf32, #tpu.memory_space<hbm>>
      %dma_start3A_23 = arith.constant 0 : i32
      %dma_start3A_24 = tpu.memref_slice %arg11[%mul3A_4, %dma_start3A_23] : memref<10000x128xf32, #tpu.memory_space<vmem_shared>> -> memref<624x128xf32, #tpu.memory_space<vmem_shared>>
      tpu.enqueue_dma source(%dma_start3A_24 : memref<624x128xf32, #tpu.memory_space<vmem_shared>>) target(%dma_start3A_22 : memref<624x128xf32, #tpu.memory_space<hbm>>) target_semaphore(%run_scoped3A : memref<!tpu.dma_semaphore, #tpu.memory_space<semaphore_mem>>)
      %dma_wait3A = arith.constant 0 : i32
      %dma_wait3A_25 = tpu.memref_slice %arg6[%add3A_16, %dma_wait3A] : memref<20000x128xf32, #tpu.memory_space<hbm>> -> memref<624x128xf32, #tpu.memory_space<hbm>>
      %dma_wait3A_26 = arith.constant 0 : i32
      %dma_wait3A_27 = tpu.memref_slice %arg11[%mul3A_4, %dma_wait3A_26] : memref<10000x128xf32, #tpu.memory_space<vmem_shared>> -> memref<624x128xf32, #tpu.memory_space<vmem_shared>>
      tpu.wait_dma2 semaphore(%run_scoped3A : memref<!tpu.dma_semaphore, #tpu.memory_space<semaphore_mem>>) src(%dma_wait3A_27 : memref<624x128xf32, #tpu.memory_space<vmem_shared>>) dst(%dma_wait3A_25 : memref<624x128xf32, #tpu.memory_space<hbm>>)
      tpu.yield
    }) : () -> ()
    %eq3A_17 = arith.constant 15 : i32
    %eq3A_18 = arith.cmpi eq, %arg1, %eq3A_17 : i32
    %convert_element_type3A_19 = arith.extui %eq3A_18 : i1 to i32
    %cond3A_20 = arith.constant 0 : i32
    %cond3A_21 = arith.cmpi ne, %convert_element_type3A_19, %cond3A_20 : i32
    scf.if %cond3A_21 {
      %mul3A_22 = arith.constant 10000 : i32
      %mul3A_23 = arith.muli %arg0, %mul3A_22 : i32
      %add3A_24 = arith.constant 9984 : i32
      %add3A_25 = arith.addi %mul3A_23, %add3A_24 : i32
      "tpu.region"() ({
        %run_scoped3A = tpu.sem_alloc : memref<!tpu.dma_semaphore, #tpu.memory_space<semaphore_mem>>
        %dma_start3A = arith.constant 0 : i32
        %dma_start3A_26 = tpu.memref_slice %arg6[%add3A_25, %dma_start3A] : memref<20000x128xf32, #tpu.memory_space<hbm>> -> memref<16x128xf32, #tpu.memory_space<hbm>>
        %dma_start3A_27 = arith.constant 9984 : i32
        %dma_start3A_28 = arith.constant 0 : i32
        %dma_start3A_29 = tpu.memref_slice %arg11[%dma_start3A_27, %dma_start3A_28] : memref<10000x128xf32, #tpu.memory_space<vmem_shared>> -> memref<16x128xf32, #tpu.memory_space<vmem_shared>>
        tpu.enqueue_dma source(%dma_start3A_29 : memref<16x128xf32, #tpu.memory_space<vmem_shared>>) target(%dma_start3A_26 : memref<16x128xf32, #tpu.memory_space<hbm>>) target_semaphore(%run_scoped3A : memref<!tpu.dma_semaphore, #tpu.memory_space<semaphore_mem>>)
        %dma_wait3A = arith.constant 0 : i32
        %dma_wait3A_30 = tpu.memref_slice %arg6[%add3A_25, %dma_wait3A] : memref<20000x128xf32, #tpu.memory_space<hbm>> -> memref<16x128xf32, #tpu.memory_space<hbm>>
        %dma_wait3A_31 = arith.constant 9984 : i32
        %dma_wait3A_32 = arith.constant 0 : i32
        %dma_wait3A_33 = tpu.memref_slice %arg11[%dma_wait3A_31, %dma_wait3A_32] : memref<10000x128xf32, #tpu.memory_space<vmem_shared>> -> memref<16x128xf32, #tpu.memory_space<vmem_shared>>
        tpu.wait_dma2 semaphore(%run_scoped3A : memref<!tpu.dma_semaphore, #tpu.memory_space<semaphore_mem>>) src(%dma_wait3A_33 : memref<16x128xf32, #tpu.memory_space<vmem_shared>>) dst(%dma_wait3A_30 : memref<16x128xf32, #tpu.memory_space<hbm>>)
        tpu.yield
      }) : () -> ()
    } else {
    }
    return
  }
}

module attributes {stable_mosaic.version = 14 : i64} {
  func.func @body(%arg0: i32, %arg1: memref<1000x128xf32, #tpu.memory_space<vmem>>, %arg2: memref<1000x128xf32, #tpu.memory_space<vmem>>, %arg3: memref<1000x1xf32, #tpu.memory_space<vmem>>, %arg4: memref<1000x128xf32, #tpu.memory_space<vmem>>, %arg5: memref<128x128xf32, #tpu.memory_space<vmem>>, %arg6: memref<128x128xf32, #tpu.memory_space<vmem>>, %arg7: memref<1x128xf32, #tpu.memory_space<vmem>>, %arg8: memref<1000x128xf32, #tpu.memory_space<vmem>>) attributes {dimension_semantics = [#tpu.dimension_semantics<arbitrary>], iteration_bounds = array<i64: 10>, scalar_prefetch = 0 : i64, scratch_operands = 0 : i64, tpu.core_type = #tpu.core_type<tc>, window_params = [{transform_indices = @transform_0, window_bounds = array<i64: 1000, 128>}, {transform_indices = @transform_1, window_bounds = array<i64: 1000, 128>}, {transform_indices = @transform_2, window_bounds = array<i64: 1000, 1>}, {transform_indices = @transform_3, window_bounds = array<i64: 1000, 128>}, {pipeline_mode = #tpu.pipeline_mode<synchronous>, transform_indices = @transform_4, window_bounds = array<i64: 128, 128>}, {pipeline_mode = #tpu.pipeline_mode<synchronous>, transform_indices = @transform_5, window_bounds = array<i64: 128, 128>}, {pipeline_mode = #tpu.pipeline_mode<synchronous>, transform_indices = @transform_6, window_bounds = array<i64: 1, 128>}, {transform_indices = @transform_7, window_bounds = array<i64: 1000, 128>}]} {
    %get3A = arith.constant 0 : index
    %get3A_0 = arith.constant 0 : index
    %get3A_1 = vector.load %arg1[%get3A, %get3A_0] : memref<1000x128xf32, #tpu.memory_space<vmem>>, vector<1000x128xf32>
    %get3A_2 = arith.constant 0 : index
    %get3A_3 = arith.constant 0 : index
    %get3A_4 = vector.load %arg2[%get3A_2, %get3A_3] : memref<1000x128xf32, #tpu.memory_space<vmem>>, vector<1000x128xf32>
    %add3A = arith.addf %get3A_1, %get3A_4 : vector<1000x128xf32>
    %get3A_5 = arith.constant 0 : index
    %get3A_6 = arith.constant 0 : index
    %get3A_7 = vector.load %arg3[%get3A_5, %get3A_6] : memref<1000x1xf32, #tpu.memory_space<vmem>>, vector<1000x1xf32>
    %mul3A = vector.broadcast %get3A_7 : vector<1000x1xf32> to vector<1000x128xf32>
    %mul3A_8 = arith.mulf %add3A, %mul3A : vector<1000x128xf32>
    %get3A_9 = arith.constant 0 : index
    %get3A_10 = arith.constant 0 : index
    %get3A_11 = vector.load %arg5[%get3A_9, %get3A_10] : memref<128x128xf32, #tpu.memory_space<vmem>>, vector<128x128xf32>
    %dot_general3A = arith.constant dense<0.000000e+00> : vector<1000x128xf32>
    %dot_general3A_12 = tpu.matmul %mul3A_8, %get3A_11, %dot_general3A {dimension_numbers = #tpu.dot_dimension_numbers<[1], [0], [0], [1], [0, 0, 1, 1], [], []>, transpose_lhs_hint = false} : vector<1000x128xf32>, vector<128x128xf32>, vector<1000x128xf32> -> vector<1000x128xf32>
    %get3A_13 = arith.constant 0 : index
    %get3A_14 = arith.constant 0 : index
    %get3A_15 = vector.load %arg4[%get3A_13, %get3A_14] : memref<1000x128xf32, #tpu.memory_space<vmem>>, vector<1000x128xf32>
    %get3A_16 = arith.constant 0 : index
    %get3A_17 = arith.constant 0 : index
    %get3A_18 = vector.load %arg6[%get3A_16, %get3A_17] : memref<128x128xf32, #tpu.memory_space<vmem>>, vector<128x128xf32>
    %dot_general3A_19 = arith.constant dense<0.000000e+00> : vector<1000x128xf32>
    %dot_general3A_20 = tpu.matmul %get3A_15, %get3A_18, %dot_general3A_19 {dimension_numbers = #tpu.dot_dimension_numbers<[1], [0], [0], [1], [0, 0, 1, 1], [], []>, transpose_lhs_hint = false} : vector<1000x128xf32>, vector<128x128xf32>, vector<1000x128xf32> -> vector<1000x128xf32>
    %add3A_21 = arith.addf %dot_general3A_12, %dot_general3A_20 : vector<1000x128xf32>
    %get3A_22 = arith.constant 0 : index
    %get3A_23 = arith.constant 0 : index
    %get3A_24 = vector.load %arg7[%get3A_22, %get3A_23] : memref<1x128xf32, #tpu.memory_space<vmem>>, vector<1x128xf32>
    %add3A_25 = vector.broadcast %get3A_24 : vector<1x128xf32> to vector<1000x128xf32>
    %add3A_26 = arith.addf %add3A_21, %add3A_25 : vector<1000x128xf32>
    %max3A = arith.constant 0.000000e+00 : f32
    %max3A_27 = vector.broadcast %max3A : f32 to vector<1000x128xf32>
    %max3A_28 = arith.maximumf %add3A_26, %max3A_27 : vector<1000x128xf32>
    %swap3A = arith.constant 0 : index
    %swap3A_29 = arith.constant 0 : index
    %swap3A_30 = vector.load %arg8[%swap3A, %swap3A_29] : memref<1000x128xf32, #tpu.memory_space<vmem>>, vector<1000x128xf32>
    tpu.vector_store %arg8[%swap3A, %swap3A_29], %max3A_28 {strides = array<i32>} : memref<1000x128xf32, #tpu.memory_space<vmem>>, vector<1000x128xf32>,
    return
  }
  func.func @transform_0(%arg0: i32) -> (i32, i32) {
    %c0_i32 = arith.constant 0 : i32
    %c0_i32_0 = arith.constant 0 : i32
    return %arg0, %c0_i32 : i32, i32
  }
  func.func @transform_1(%arg0: i32) -> (i32, i32) {
    %add3A = arith.constant 10 : i32
    %add3A_0 = arith.addi %arg0, %add3A : i32
    %c0_i32 = arith.constant 0 : i32
    %c0_i32_1 = arith.constant 0 : i32
    return %add3A_0, %c0_i32 : i32, i32
  }
  func.func @transform_2(%arg0: i32) -> (i32, i32) {
    %c0_i32 = arith.constant 0 : i32
    %c0_i32_0 = arith.constant 0 : i32
    return %arg0, %c0_i32 : i32, i32
  }
  func.func @transform_3(%arg0: i32) -> (i32, i32) {
    %c0_i32 = arith.constant 0 : i32
    %c0_i32_0 = arith.constant 0 : i32
    return %arg0, %c0_i32 : i32, i32
  }
  func.func @transform_4(%arg0: i32) -> (i32, i32) {
    %c0_i32 = arith.constant 0 : i32
    %c0_i32_0 = arith.constant 0 : i32
    %c0_i32_1 = arith.constant 0 : i32
    return %c0_i32, %c0_i32_0 : i32, i32
  }
  func.func @transform_5(%arg0: i32) -> (i32, i32) {
    %c0_i32 = arith.constant 0 : i32
    %c0_i32_0 = arith.constant 0 : i32
    %c0_i32_1 = arith.constant 0 : i32
    return %c0_i32, %c0_i32_0 : i32, i32
  }
  func.func @transform_6(%arg0: i32) -> (i32, i32) {
    %c0_i32 = arith.constant 0 : i32
    %c0_i32_0 = arith.constant 0 : i32
    %c0_i32_1 = arith.constant 0 : i32
    return %c0_i32, %c0_i32_0 : i32, i32
  }
  func.func @transform_7(%arg0: i32) -> (i32, i32) {
    %c0_i32 = arith.constant 0 : i32
    %c0_i32_0 = arith.constant 0 : i32
    return %arg0, %c0_i32 : i32, i32
  }
}

module attributes {stable_mosaic.version = 14 : i64} {
  func.func @_tc_deginv_body(%arg0: memref<32x10240xf32, #tpu.memory_space<vmem>>, %arg1: memref<10240x1xf32, #tpu.memory_space<vmem>>) attributes {dimension_semantics = [], scalar_prefetch = 0 : i64, scratch_operands = 0 : i64, tpu.core_type = #tpu.core_type<tc>} {
    %broadcast_in_dim3A = arith.constant 1.000000e+00 : f32
    %broadcast_in_dim3A_0 = vector.broadcast %broadcast_in_dim3A : f32 to vector<32x1xf32>
    %get3A = arith.constant 0 : index
    %get3A_1 = arith.constant 0 : index
    %get3A_2 = vector.load %arg0[%get3A, %get3A_1] : memref<32x10240xf32, #tpu.memory_space<vmem>>, vector<32x10240xf32>
    %dot_general3A = arith.constant dense<0.000000e+00> : vector<10240x1xf32>
    %dot_general3A_3 = tpu.matmul %get3A_2, %broadcast_in_dim3A_0, %dot_general3A {dimension_numbers = #tpu.dot_dimension_numbers<[0], [0], [1], [1], [0, 1, 1, 1], [], []>, transpose_lhs_hint = false} : vector<32x10240xf32>, vector<32x1xf32>, vector<10240x1xf32> -> vector<10240x1xf32>
    %max3A = arith.constant 1.000000e+00 : f32
    %max3A_4 = vector.broadcast %max3A : f32 to vector<10240x1xf32>
    %max3A_5 = arith.maximumf %dot_general3A_3, %max3A_4 : vector<10240x1xf32>
    %div3A = arith.constant 1.000000e+00 : f32
    %div3A_6 = vector.broadcast %div3A : f32 to vector<10240x1xf32>
    %div3A_7 = arith.divf %div3A_6, %max3A_5 : vector<10240x1xf32>
    %swap3A = arith.constant 0 : index
    %swap3A_8 = arith.constant 0 : index
    %swap3A_9 = vector.load %arg1[%swap3A, %swap3A_8] : memref<10240x1xf32, #tpu.memory_space<vmem>>, vector<10240x1xf32>
    tpu.vector_store %arg1[%swap3A, %swap3A_8], %div3A_7 {strides = array<i32>} : memref<10240x1xf32, #tpu.memory_space<vmem>>, vector<10240x1xf32>,
    return
  }
}

module attributes {stable_mosaic.version = 14 : i64} {
  func.func @body(%arg0: i32, %arg1: memref<1000x128xf32, #tpu.memory_space<vmem>>, %arg2: memref<1000x128xf32, #tpu.memory_space<vmem>>, %arg3: memref<1000x1xf32, #tpu.memory_space<vmem>>, %arg4: memref<1000x128xf32, #tpu.memory_space<vmem>>, %arg5: memref<128x128xf32, #tpu.memory_space<vmem>>, %arg6: memref<128x128xf32, #tpu.memory_space<vmem>>, %arg7: memref<1x128xf32, #tpu.memory_space<vmem>>, %arg8: memref<1000x128xf32, #tpu.memory_space<vmem>>) attributes {dimension_semantics = [#tpu.dimension_semantics<arbitrary>], iteration_bounds = array<i64: 10>, scalar_prefetch = 0 : i64, scratch_operands = 0 : i64, tpu.core_type = #tpu.core_type<tc>, window_params = [{transform_indices = @transform_0, window_bounds = array<i64: 1000, 128>}, {transform_indices = @transform_1, window_bounds = array<i64: 1000, 128>}, {transform_indices = @transform_2, window_bounds = array<i64: 1000, 1>}, {transform_indices = @transform_3, window_bounds = array<i64: 1000, 128>}, {pipeline_mode = #tpu.pipeline_mode<synchronous>, transform_indices = @transform_4, window_bounds = array<i64: 128, 128>}, {pipeline_mode = #tpu.pipeline_mode<synchronous>, transform_indices = @transform_5, window_bounds = array<i64: 128, 128>}, {pipeline_mode = #tpu.pipeline_mode<synchronous>, transform_indices = @transform_6, window_bounds = array<i64: 1, 128>}, {transform_indices = @transform_7, window_bounds = array<i64: 1000, 128>}]} {
    %get3A = arith.constant 0 : index
    %get3A_0 = arith.constant 0 : index
    %get3A_1 = vector.load %arg1[%get3A, %get3A_0] : memref<1000x128xf32, #tpu.memory_space<vmem>>, vector<1000x128xf32>
    %get3A_2 = arith.constant 0 : index
    %get3A_3 = arith.constant 0 : index
    %get3A_4 = vector.load %arg2[%get3A_2, %get3A_3] : memref<1000x128xf32, #tpu.memory_space<vmem>>, vector<1000x128xf32>
    %add3A = arith.addf %get3A_1, %get3A_4 : vector<1000x128xf32>
    %get3A_5 = arith.constant 0 : index
    %get3A_6 = arith.constant 0 : index
    %get3A_7 = vector.load %arg3[%get3A_5, %get3A_6] : memref<1000x1xf32, #tpu.memory_space<vmem>>, vector<1000x1xf32>
    %mul3A = vector.broadcast %get3A_7 : vector<1000x1xf32> to vector<1000x128xf32>
    %mul3A_8 = arith.mulf %add3A, %mul3A : vector<1000x128xf32>
    %get3A_9 = arith.constant 0 : index
    %get3A_10 = arith.constant 0 : index
    %get3A_11 = vector.load %arg5[%get3A_9, %get3A_10] : memref<128x128xf32, #tpu.memory_space<vmem>>, vector<128x128xf32>
    %dot_general3A = arith.constant dense<0.000000e+00> : vector<1000x128xf32>
    %dot_general3A_12 = tpu.matmul %mul3A_8, %get3A_11, %dot_general3A {dimension_numbers = #tpu.dot_dimension_numbers<[1], [0], [0], [1], [0, 0, 1, 1], [], []>, transpose_lhs_hint = false} : vector<1000x128xf32>, vector<128x128xf32>, vector<1000x128xf32> -> vector<1000x128xf32>
    %get3A_13 = arith.constant 0 : index
    %get3A_14 = arith.constant 0 : index
    %get3A_15 = vector.load %arg4[%get3A_13, %get3A_14] : memref<1000x128xf32, #tpu.memory_space<vmem>>, vector<1000x128xf32>
    %get3A_16 = arith.constant 0 : index
    %get3A_17 = arith.constant 0 : index
    %get3A_18 = vector.load %arg6[%get3A_16, %get3A_17] : memref<128x128xf32, #tpu.memory_space<vmem>>, vector<128x128xf32>
    %dot_general3A_19 = arith.constant dense<0.000000e+00> : vector<1000x128xf32>
    %dot_general3A_20 = tpu.matmul %get3A_15, %get3A_18, %dot_general3A_19 {dimension_numbers = #tpu.dot_dimension_numbers<[1], [0], [0], [1], [0, 0, 1, 1], [], []>, transpose_lhs_hint = false} : vector<1000x128xf32>, vector<128x128xf32>, vector<1000x128xf32> -> vector<1000x128xf32>
    %add3A_21 = arith.addf %dot_general3A_12, %dot_general3A_20 : vector<1000x128xf32>
    %get3A_22 = arith.constant 0 : index
    %get3A_23 = arith.constant 0 : index
    %get3A_24 = vector.load %arg7[%get3A_22, %get3A_23] : memref<1x128xf32, #tpu.memory_space<vmem>>, vector<1x128xf32>
    %add3A_25 = vector.broadcast %get3A_24 : vector<1x128xf32> to vector<1000x128xf32>
    %add3A_26 = arith.addf %add3A_21, %add3A_25 : vector<1000x128xf32>
    %swap3A = arith.constant 0 : index
    %swap3A_27 = arith.constant 0 : index
    %swap3A_28 = vector.load %arg8[%swap3A, %swap3A_27] : memref<1000x128xf32, #tpu.memory_space<vmem>>, vector<1000x128xf32>
    tpu.vector_store %arg8[%swap3A, %swap3A_27], %add3A_26 {strides = array<i32>} : memref<1000x128xf32, #tpu.memory_space<vmem>>, vector<1000x128xf32>,
    return
  }
  func.func @transform_0(%arg0: i32) -> (i32, i32) {
    %c0_i32 = arith.constant 0 : i32
    %c0_i32_0 = arith.constant 0 : i32
    return %arg0, %c0_i32 : i32, i32
  }
  func.func @transform_1(%arg0: i32) -> (i32, i32) {
    %add3A = arith.constant 10 : i32
    %add3A_0 = arith.addi %arg0, %add3A : i32
    %c0_i32 = arith.constant 0 : i32
    %c0_i32_1 = arith.constant 0 : i32
    return %add3A_0, %c0_i32 : i32, i32
  }
  func.func @transform_2(%arg0: i32) -> (i32, i32) {
    %c0_i32 = arith.constant 0 : i32
    %c0_i32_0 = arith.constant 0 : i32
    return %arg0, %c0_i32 : i32, i32
  }
  func.func @transform_3(%arg0: i32) -> (i32, i32) {
    %c0_i32 = arith.constant 0 : i32
    %c0_i32_0 = arith.constant 0 : i32
    return %arg0, %c0_i32 : i32, i32
  }
  func.func @transform_4(%arg0: i32) -> (i32, i32) {
    %c0_i32 = arith.constant 0 : i32
    %c0_i32_0 = arith.constant 0 : i32
    %c0_i32_1 = arith.constant 0 : i32
    return %c0_i32, %c0_i32_0 : i32, i32
  }
  func.func @transform_5(%arg0: i32) -> (i32, i32) {
    %c0_i32 = arith.constant 0 : i32
    %c0_i32_0 = arith.constant 0 : i32
    %c0_i32_1 = arith.constant 0 : i32
    return %c0_i32, %c0_i32_0 : i32, i32
  }
  func.func @transform_6(%arg0: i32) -> (i32, i32) {
    %c0_i32 = arith.constant 0 : i32
    %c0_i32_0 = arith.constant 0 : i32
    %c0_i32_1 = arith.constant 0 : i32
    return %c0_i32, %c0_i32_0 : i32, i32
  }
  func.func @transform_7(%arg0: i32) -> (i32, i32) {
    %c0_i32 = arith.constant 0 : i32
    %c0_i32_0 = arith.constant 0 : i32
    return %arg0, %c0_i32 : i32, i32
  }
}

</mosaic_0001>

<sc_bundles>
// kernel: kernel.10.cloned.1.call-start
scs
__scs_entry_jumppad:
0x0: {  	(pc) =	sbr.rel $0x88, $3  }
0x1: {  	(tag) =	ssettag $0x0;
	lr =	simm.s32 $0x1  }
0x2: {  	[smem:$0x3F99] =	sst lr;
	_ =	strace $0xD0000000  }
0x3: {  	_ = 	snop  }
0x4: {  	_ = 	snop  }
0x5: {  	_ = 	snop  }
0x6: {  	_ = 	snop  }
0x7: {  	_ = 	snop  }
__scs_overlays_trampoline_lowered:
0x8: {  	[smem:$0x3FA8] =	sst s0  }
0x9: {  	[smem:$0x3FA9] =	sst s1  }
0xa: {  	[smem:$0x3FAA] =	sst s2  }
0xb: {  	[smem:$0x3FAB] =	sst s3  }
0xc: {  	[smem:$0x3FAC] =	sst s4  }
0xd: {  	[smem:$0x3FAD] =	sst s5  }
0xe: {  	[smem:$0x3FAE] =	sst s6  }
0xf: {  	[smem:$0x3FAF] =	sst s7  }
0x10: {  	[smem:$0x3FB0] =	sst s8  }
0x11: {  	[smem:$0x3FB1] =	sst s9;
	s0 =	simm.s32 @!p0 $0x0  }
0x12: {  	s1 =	sld [smem:$0x3F97];
	s0 =	simm.s32 @p0 $0x1  }
0x13: {  	[smem:$0x3FB2] =	sst s0;
	s0 =	simm.s32 @!p1 $0x0  }
0x14: {  	s2 =	sld [smem:$0x3F96];
	s0 =	simm.s32 @p1 $0x1  }
0x15: {  	[smem:$0x3FB3] =	sst s0;
	s0 =	simm.s32 @!p2 $0x0  }
0x16: {  	s3 =	sld [smem:$0x3FDB];
	s0 =	simm.s32 @p2 $0x1  }
0x17: {  	s4 =	simm.s32 $0x1BF5;
	[smem:$0x3FB5] =	sst s0  }
0x18: {  	s0 =	sld [smem:$0x3F98];
	_ =	swait.ge [sflag:s4], $0x0  }
0x19: {  	s7 =	sld [smem:$0x3F99]  }
0x1a: {  	s8 =	sadd.s32 $0xFFFFE003, lr  }
0x1b: {  	s9 =	sadd.s32 $0xFFFFFEF7, lr;
	s5 =	simm.s32 $0xFFFFFFFF;
	p2 =	slt.u32 s8, $0xFFFFF086  }
0x1c: {  	p1 =	slt.u32 s9, $0xF7A;
	s5 =	simm.s32 @!p2 $0x0  }
0x1d: {  	s5 =	simm.s32 @p1 $0x1;
	p0 =	seq.s32 s7, s2  }
0x1e: {  	s7 =	smul.u32 @!p0 $0xF7A, s2;
	p2 =	seq.s32 @!p0 s5, $0x0  }
0x1f: {  	s9 =	smul.u32 $0xF7A, s1;
	s8 =	simm.s32 @!p0 $0x1BF5;
	p2 =	por !p2, p0  }
0x20: {  	[sflag:s8] =	ssyncset.s32 @!p0 $0xFFFFF086;
	s6 =	sadd.s32 @!p0 s3, s7;
	s7 =	simm.s32 @!p0 $0x108  }
0x21: {  	s3 =	sadd.s32 s3, s9;
	s6 =	sadd.s32 @!p0 $0x88, s6;
	s7 =	simm.s32 @p2 $0x1082  }
0x22: {  	[simem:s7], [sflag:s8] =	dma.local @!p0 [hbm:s6], $0xF7A  }
0x23: {  	s9 =	sor.u32 $0xD0000000, s2;
	s6 =	simm.s32 $0x108;
	_ =	swait.ge @!p0 [sflag:s8], $0x0  }
0x24: {  	s3 =	sadd.s32 $0x88, s3;
	s6 =	simm.s32 @!p1 $0x1082;
	[sflag:s4] =	ssyncset.s32 $0xFFFFF086  }
0x25: {  	[simem:s6], [sflag:s4] =	dma.local [hbm:s3], $0xF7A  }
0x26: {  	[smem:$0x3F99] =	sst s1;
	(tag) =	ssettag s2;
	_ =	strace s9  }
0x27: {  	s1 =	sld [smem:$0x3FA9]  }
0x28: {  	s2 =	sld [smem:$0x3FAA]  }
0x29: {  	s4 =	sld [smem:$0x3FAC]  }
0x2a: {  	p0 =	seq.s32 s5, $0x0;
	s5 =	sld [smem:$0x3FAD]  }
0x2b: {  	s6 =	sld [smem:$0x3FAE]  }
0x2c: {  	s7 =	sld [smem:$0x3FAF]  }
0x2d: {  	s3 =	simm.s32 $0x108;
	s8 =	sld [smem:$0x3FB0]  }
0x2e: {  	s3 =	simm.s32 @!p0 $0x1082;
	s9 =	sld [smem:$0x3FB1]  }
0x2f: {  	lr =	sadd.s32 s0, s3;
	s0 =	sld [smem:$0x3FA8]  }
0x30: {  	s3 =	sld [smem:$0x3FAB]  }
0x31: {  	[smem:$0x3FB4] =	sst s10  }
0x32: {  	s10 =	sld [smem:$0x3FB2];
	_ =	sdelay $0x3  }
0x33: {  	p0 =	seq.s32 s10, $0x1;
	s10 =	sld [smem:$0x3FB4];
	_ =	sdelay $0x3  }
0x34: {  	[smem:$0x3FB4] =	sst s10  }
0x35: {  	s10 =	sld [smem:$0x3FB3];
	_ =	sdelay $0x3  }
0x36: {  	p1 =	seq.s32 s10, $0x1;
	s10 =	sld [smem:$0x3FB4];
	_ =	sdelay $0x3  }
0x37: {  	[smem:$0x3FB4] =	sst s10  }
0x38: {  	s10 =	sld [smem:$0x3FB5]  }
0x39: {  	_ = 	snop;
	(pc) =	sbr.ind lr, $3  }
0x3a: {  	_ = 	snop  }
0x3b: {  	_ = 	snop  }
0x3c: {  	p2 =	seq.s32 s10, $0x1;
	s10 =	sld [smem:$0x3FB4]  }
0x3d: {  	_ =	shalt  }
0x3e: {  	_ =	shalt  }
0x3f: {  	_ =	shalt  }
0x40: {  	_ =	shalt  }
0x41: {  	_ =	shalt  }
0x42: {  	_ =	shalt  }
0x43: {  	_ =	shalt  }
0x44: {  	_ =	shalt  }
0x45: {  	_ =	shalt  }
0x46: {  	_ =	shalt  }
0x47: {  	_ =	shalt  }
0x48: {  	_ =	shalt  }
0x49: {  	_ =	shalt  }
0x4a: {  	_ =	shalt  }
0x4b: {  	_ =	shalt  }
0x4c: {  	_ =	shalt  }
0x4d: {  	_ =	shalt  }
0x4e: {  	_ =	shalt  }
0x4f: {  	_ =	shalt  }
0x50: {  	_ =	shalt  }
0x51: {  	_ =	shalt  }
0x52: {  	_ =	shalt  }
0x53: {  	_ =	shalt  }
0x54: {  	_ =	shalt  }
0x55: {  	_ =	shalt  }
0x56: {  	_ =	shalt  }
0x57: {  	_ =	shalt  }
0x58: {  	_ =	shalt  }
0x59: {  	_ =	shalt  }
0x5a: {  	_ =	shalt  }
0x5b: {  	_ =	shalt  }
0x5c: {  	_ =	shalt  }
0x5d: {  	_ =	shalt  }
0x5e: {  	_ =	shalt  }
0x5f: {  	_ =	shalt  }
0x60: {  	_ =	shalt  }
0x61: {  	_ =	shalt  }
0x62: {  	_ =	shalt  }
0x63: {  	_ =	shalt  }
0x64: {  	_ =	shalt  }
0x65: {  	_ =	shalt  }
0x66: {  	_ =	shalt  }
0x67: {  	_ =	shalt  }
0x68: {  	_ =	shalt  }
0x69: {  	_ =	shalt  }
0x6a: {  	_ =	shalt  }
0x6b: {  	_ =	shalt  }
0x6c: {  	_ =	shalt  }
0x6d: {  	_ =	shalt  }
0x6e: {  	_ =	shalt  }
0x6f: {  	_ =	shalt  }
0x70: {  	_ =	shalt  }
0x71: {  	_ =	shalt  }
0x72: {  	_ =	shalt  }
0x73: {  	_ =	shalt  }
0x74: {  	_ =	shalt  }
0x75: {  	_ =	shalt  }
0x76: {  	_ =	shalt  }
0x77: {  	_ =	shalt  }
0x78: {  	_ =	shalt  }
0x79: {  	_ =	shalt  }
0x7a: {  	_ =	shalt  }
0x7b: {  	_ =	shalt  }
0x7c: {  	_ =	shalt  }
0x7d: {  	_ =	shalt  }
0x7e: {  	_ =	shalt  }
0x7f: {  	_ =	shalt  }
0x80: {  	_ =	shalt  }
0x81: {  	_ =	shalt  }
0x82: {  	_ =	shalt  }
0x83: {  	_ =	shalt  }
0x84: {  	_ =	shalt  }
0x85: {  	_ =	shalt  }
0x86: {  	_ =	shalt  }
0x87: {  	_ =	shalt  }
.Lfunc_end0:
.L_simem_size_0:
called_computation.1_lowered:
.L_overlay_start_0:
0x88: {  	s2 =	sld [smem:$0x3FD9]  }
0x89: {  	s3 =	sld [smem:$0x3FFE];
	_ =	sdelay $0x1  }
0x8a: {  	s1 =	srdreg.scid  }
0x8b: {  	s0 =	sand.u32 $0x1, s1  }
0x8c: {  	s17 =	sshll.u32 s0, $0xA;
	s2 =	sadd.s32 s3, s2  }
0x8d: {  	s2 =	sadd.s32 s2, s17  }
0x8e: {  	[smem:$0x3FC0] =	sst s2  }
0x8f: {  	_ = 	snop  }
0x90: {  	s2 =	sld [smem:$0x3FD0];
	(tm) =	ssettm $0x1  }
0x91: {  	s18 =	sld [smem:$0x3FFB];
	_ =	sdelay $0x3  }
0x92: {  	_ =	strace s18  }
0x93: {  	s3 =	sld [smem:$0x3FFC];
	_ =	sdelay $0x3  }
0x94: {  	_ =	strace s3  }
0x95: {  	s3 =	sld [smem:$0x3FFD];
	_ =	sdelay $0x3  }
0x96: {  	_ =	strace s3  }
0x97: {  	_ =	strace $0x8FFFFFFF  }
0x98: {  	s19 =	sld [smem:$0x3FDB];
	_ =	sdelay $0x1  }
0x99: {  	s4 =	simm.s32 $_scs_section_size  }
0x9a: {  	s5 =	simm.s32 $_size__tile_overlayer_lowered;
	s6 =	simm.s32 $_tile_overlayer_lowered  }
0x9b: {  	s22 =	simm.s32 $0x1BFF;
	s21 =	sshll.u32 s6, $0x1;
	s3 =	sadd.s32 s4, s19  }
0x9c: {  	s7 =	simm.s32 $0x0;
	s20 =	sshll.u32 s5, $0x1;
	s5 =	sadd.s32 s21, s3  }
0x9d: {  	[timem:s7], [sflag:s22] =	dma.local [hbm:s5], s20  }
0x9e: {  	_ =	swait.ge [sflag:s22], s20  }
0x9f: {  	s4 =	ssub.s32 $0x0, s20;
	[sflag:s22] =	ssyncset.done $0x0  }
0xa0: {  	[sflag:s22] =	ssyncadd.s32 s4;
	_ =	sdelay $0x1  }
0xa1: {  	s23 =	simm.s32 $0x1B8B  }
0xa2: {  	_ =	swait.ge [sflag:s23], $0x1  }
0xa3: {  	[sflag:s23] =	ssyncset.done $0x0  }
0xa4: {  	s25 =	simm.s32 $0x1B8E;
	s24 =	sld [smem:$0x3FFE];
	[sflag:s23] =	ssyncadd.s32 $0xFFFFFFFF  }
0xa5: {  	s26 =	simm.s32 $execute0_lowered;
	[smem:$0x3FD2] =	sst s25  }
0xa6: {  	s5 =	sshll.u32 s26, $0x1;
	_ =	strace $0x80000049;
	[dreg:$0x1] =	wrdreg $0xFFFFFFFF  }
0xa7: {  	s28 =	simm.s32 $_size_execute0_lowered;
	s3 =	sadd.s32 s3, s5;
	[dreg:$0x0] =	wrdreg $0x0  }
0xa8: {  	s5 =	sshll.u32 s28, $0x1;
	[dreg:$0x2] =	wrdreg s3  }
0xa9: {  	[dreg:$0x3] =	wrdreg s5  }
0xaa: {  	[dreg:$0x4] =	wrdreg $0xC0  }
0xab: {  	_ =	task [dreg:s7], $0x5FFFF  }
0xac: {  	[dreg:$0x1] =	wrdreg $0xFFFFFFFF  }
0xad: {  	[dreg:$0x0] =	wrdreg $0x60  }
0xae: {  	[dreg:$0x2] =	wrdreg s24  }
0xaf: {  	[dreg:$0x3] =	wrdreg s2  }
0xb0: {  	[dreg:$0x4] =	wrdreg $0x29000  }
0xb1: {  	[dreg:$0x5] =	wrdreg $0x9  }
0xb2: {  	_ =	task.clear_ibuf [dreg:s7], $0x6FFFF;
	_ =	strace $0x90000049  }
0xb3: {  	s29 =	simm.s32 $0x9;
	_ =	strace $0x8000004B  }
0xb4: {  	_ =	swait.ge [sflag:s29], $0x1  }
0xb5: {  	[sflag:s29] =	ssyncadd.s32 $0xFFFFFFFF  }
0xb6: {  	_ =	strace $0x9000004B  }
0xb7: {  	_ =	sfence  }
0xb8: {  	s30 =	sld [smem:$0x0];
	_ =	sdelay $0x2  }
0xb9: {  	s31 =	sshll.u32 s1, $0xD;
	s1 =	sshrl.u32 s1, $0x2  }
0xba: {  	s3 =	sand.u32 $0x4000, s31;
	s1 =	sadd.s32 s1, s30  }
0xbb: {  	s0 =	sor.u32 s3, s0;
	s1 =	sshll.u32 s1, $0x11  }
0xbc: {  	s0 =	sor.u32 s1, s0  }
0xbd: {  	s0 =	sadd.s32 $0x8F2B, s0  }
0xbe: {  	[sflag:s0] =	ssyncadd.remote.s32 $0x1  }
0xbf: {  	_ =	sfence.sel $0xFFFF  }
0xc0: {  	[dreg:$0x0] =	wrdreg $0xFFFFFFFF;
	(pc) =	sbr.abs _section_cstart, $3  }
0xc1: {  	[dreg:$0x1] =	wrdreg $0xFFFFFFFF  }
0xc2: {  	_ =	task.clear_ibuf [dreg:s7], $0x2FFFF;
	_ =	strace $0x9FFFFFFF  }
0xc3: {  	(tm) =	ssettm $0x7FFFFFFF  }
tec
execute0_lowered:
.L_overlay_start_1:
0x0: {  	(tag) =	ssettag $0x1  }
0x1: {  	s5 =	rddreg [dreg:$0x0]  }
0x2: {  	s7 =	rddreg [dreg:$0x1]  }
0x3: {  	s2 =	rddreg [dreg:$0x2]  }
0x4: {  	s0 =	srdreg.scid;
	s1 =	rddreg [dreg:$0x3]  }
0x5: {  	s3 =	simm.s32 $0x0;
	s17 =	simm.s32 $0x50;
	s6 =	sand.u32 $0x1, s0  }
0x6: {  	s18 =	simm.s32 $0x100;
	s0 =	stileid.u32;
	s8 =	smul.u32 $0x27100, s6  }
0x7: {  	s19 =	simm.s32 $0x1;
	s20 =	simm.s32 $0x0;
	s4 =	smul.u32 $0x2710, s0  }
0x8: {  	[smem:$0x7FF] =	sst s3;
	s10 =	sadd.s32 $0x3CE00, s5;
	s28 =	smul.u32 $0x4E000, s0  }
0x9: {  	s16 =	sadd.s32 $0x138000, s2;
	_ =	strace $0x8000004A;
	s11 =	smul.u32 $0x2700, s0  }
0xa: {  	s29 =	ssub.s32 $0x2, s6;
	s14 =	smul.u32 $0x138800, s6;
	s30 =	sshll.u32 s0, $0x6  }
0xb: {  	p0 =	sne.s32 s0, $0xF;
	s13 =	sshrl.u32 s29, $0x1;
	s6 =	sor.u32 $0x1C02, s30  }
0xc: {  	s4 =	sadd.s32 s4, s8;
	s13 =	ssub.s32 s29, s13;
	s31 =	sshrl.u32 s14, $0x3  }
0xd: {  	s8 =	sadd.s32 s11, s8;
	s14 =	simm.s32 $0x2;
	s9 =	sshrl.u32 s4, $0x3  }
0xe: {  	s4 =	sadd.s32 $0x15C00, s5;
	s8 =	sadd.s32 s10, s8;
	s12 =	sadd.s32 s9, s5  }
0xf: {  	s9 =	sshrl.u32 s28, $0x2;
	s5 =	sadd.s32 s7, s11;
	s7 =	sadd.s32 $0x27000, s7  }
0x10: {  	s15 =	sadd.s32 s9, s2;
	s9 =	sadd.s32 s10, s31;
	s10 =	smax.u32 s13, $0x1  }
0x11: {  	s11 =	sadd.s32 $0x2000, s12;
	s12 =	sadd.s32 $0xBE00, s12;
	s9 =	sadd.s32 $0x27000, s9  }
0x12: {  	s13 =	sshrl.u32 s15, $0x3;
	s15 =	sshrl.u32 @!p0 s16, $0x3;
	s16 =	simm.s32 $0x80  }
.LBB2_1:
0x13: {  	[spmem:s13], [sflag:s6] =	dma.local [hbm:s5], $0x2700  }
0x14: {  	_ =	swait.ge [sflag:s14], $0x2700  }
0x15: {  	[sflag:s14] =	ssyncset.done $0x0  }
0x16: {  	s21 =	simm.s32 @!p0 $0x2;
	[sflag:s14] =	ssyncadd.s32 $0xFFFFD900  }
0x17: {  	[spmem:s15], [sflag:s6] =	dma.local @!p0 [hbm:s7], $0x100  }
0x18: {  	_ =	swait.ge @!p0 [sflag:s21], $0x100  }
0x19: {  	[sflag:s21] =	ssyncset.done @!p0 $0x0  }
0x1a: {  	[sflag:s21] =	ssyncadd.s32 @!p0 $0xFFFFFF00  }
0x1b: {  	s30 =	sadd.s32 $0x0, s12;
	[bflag:$0x0] =	sbarrier.arrive $0xFFFF  }
0x1c: {  	[tilespmem:s3], [sflag:$0x2] =	stream.linear.gather [hbm4b:s30+s3], $0x50, $0x38;
	[tilespmem:$0x16180] =	vst v63  }
0x1d: {  	_ =	swait.ge [sflag:s14], $0x50  }
0x1e: {  	[sflag:s14] =	ssyncset.done $0x0  }
0x1f: {  	s31 =	sadd.s32 $0x0, s11;
	[sflag:s14] =	ssyncadd.s32 $0xFFFFFFB0  }
0x20: {  	[tilespmem:s16], [sflag:$0x2] =	stream.linear.gather [hbm4b:s31+s3], $0x50, $0x38;
	[tilespmem:$0x16180] =	vst v63  }
0x21: {  	_ =	swait.ge [sflag:s14], $0x50  }
0x22: {  	[sflag:s14] =	ssyncset.done $0x0  }
0x23: {  	[sflag:s14] =	ssyncadd.s32 $0xFFFFFFB0  }
0x24: {  	[tilespmem:s18], [sflag:$0x1] =	stream.indirect.gather [hbm4b:s4+s17], $0x80, s3, s17, $0xb8;
	[tilespmem:$0x16180] =	vst v63  }
0x25: {  	_ =	swait.ge [sflag:s19], $0x2800  }
0x26: {  	[sflag:s19] =	ssyncset.done $0x0  }
0x27: {  	[sflag:s19] =	ssyncadd.s32 $0xFFFFD800  }
0x28: {  	[spmem:s2] =	stream.indirect.scatter.add.f32 [tilespmem:s18], [sflag:$0x2], $0x80, s16, s17, $0xb8;
	[tilespmem:$0x16180] =	vst v63  }
0x29: {  	_ =	swait.ge [sflag:s14], $0x2800  }
0x2a: {  	s22 =	simm.s32 $0x14;
	s21 =	simm.s32 $0xA;
	[sflag:s14] =	ssyncset.done $0x0  }
.LBB2_2:
0x2b: {  	s23 =	sadd.s32 s21, s12  }
0x2c: {  	[sflag:s14] =	ssyncadd.s32 $0xFFFFD800;
	s24 =	smov.u32 s22;
	s25 =	sadd.s32 $0xA, s22  }
0x2d: {  	[tilespmem:s3], [sflag:$0x2] =	stream.linear.gather [hbm4b:s23+s3], $0x50, $0x38;
	[tilespmem:$0x16180] =	vst v63  }
0x2e: {  	p1 =	sne.s32 s22, $0x4D8;
	_ =	swait.ge [sflag:s14], $0x50  }
0x2f: {  	[sflag:s14] =	ssyncset.done $0x0  }
0x30: {  	s22 =	sadd.s32 s21, s11;
	s21 =	smov.u32 s24;
	[sflag:s14] =	ssyncadd.s32 $0xFFFFFFB0  }
0x31: {  	[tilespmem:s16], [sflag:$0x2] =	stream.linear.gather [hbm4b:s22+s3], $0x50, $0x38;
	[tilespmem:$0x16180] =	vst v63  }
0x32: {  	_ =	swait.ge [sflag:s14], $0x50  }
0x33: {  	[sflag:s14] =	ssyncset.done $0x0  }
0x34: {  	[sflag:s14] =	ssyncadd.s32 $0xFFFFFFB0  }
0x35: {  	[tilespmem:s18], [sflag:$0x1] =	stream.indirect.gather [hbm4b:s4+s17], $0x80, s3, s17, $0xb8;
	[tilespmem:$0x16180] =	vst v63  }
0x36: {  	_ =	swait.ge [sflag:s19], $0x2800  }
.Ltmp0:
0x37: {  	[sflag:s19] =	ssyncset.done $0x0;
	(pc) =	sbr.rel @p1 .LBB2_2-.Ltmp0, $4  }
0x38: {  	[sflag:s19] =	ssyncadd.s32 $0xFFFFD800  }
0x39: {  	[spmem:s2] =	stream.indirect.scatter.add.f32 [tilespmem:s18], [sflag:$0x2], $0x80, s16, s17, $0xb8;
	[tilespmem:$0x16180] =	vst v63  }
0x3a: {  	_ =	swait.ge [sflag:s14], $0x2800  }
0x3b: {  	s22 =	smov.u32 s25;
	[sflag:s14] =	ssyncset.done $0x0  }
0x3c: {  	s22 =	sadd.s32 s21, s12;
	[sflag:s14] =	ssyncadd.s32 $0xFFFFD800  }
0x3d: {  	[tilespmem:s3], [sflag:$0x2] =	stream.linear.gather [hbm4b:s22+s3], $0x50, $0x38;
	[tilespmem:$0x16180] =	vst v63  }
0x3e: {  	_ =	swait.ge [sflag:s14], $0x50  }
0x3f: {  	[sflag:s14] =	ssyncset.done $0x0  }
0x40: {  	s31 =	sadd.s32 s21, s11;
	[sflag:s14] =	ssyncadd.s32 $0xFFFFFFB0  }
0x41: {  	[tilespmem:s16], [sflag:$0x2] =	stream.linear.gather [hbm4b:s31+s3], $0x50, $0x38;
	[tilespmem:$0x16180] =	vst v63  }
0x42: {  	_ =	swait.ge [sflag:s14], $0x50  }
0x43: {  	[sflag:s14] =	ssyncset.done $0x0  }
0x44: {  	[sflag:s14] =	ssyncadd.s32 $0xFFFFFFB0  }
0x45: {  	[tilespmem:s18], [sflag:$0x1] =	stream.indirect.gather [hbm4b:s4+s17], $0x80, s3, s17, $0xb8;
	[tilespmem:$0x16180] =	vst v63  }
0x46: {  	_ =	swait.ge [sflag:s19], $0x2800  }
0x47: {  	[sflag:s19] =	ssyncset.done $0x0  }
0x48: {  	[sflag:s19] =	ssyncadd.s32 $0xFFFFD800  }
0x49: {  	[spmem:s2] =	stream.indirect.scatter.add.f32 [tilespmem:s18], [sflag:$0x2], $0x80, s16, s17, $0xb8;
	[tilespmem:$0x16180] =	vst v63  }
0x4a: {  	_ =	swait.ge [sflag:s14], $0x2800  }
0x4b: {  	[sflag:s14] =	ssyncset.done $0x0  }
0x4c: {  	[sflag:s14] =	ssyncadd.s32 $0xFFFFD800  }
0x4d: {  	[bflag:$0x0] =	sbarrier.arrive $0xFFFF  }
0x4e: {  	[hbm:s8], [sflag:s6] =	dma.local [spmem:s13], $0x2700  }
0x4f: {  	s20 =	sadd.s32 $0x1, s20;
	_ =	swait.ge [sflag:s14], $0x2700  }
0x50: {  	p1 =	sne.s32 s20, s10;
	[sflag:s14] =	ssyncset.done $0x0  }
.Ltmp1:
0x51: {  	s21 =	simm.s32 @!p0 $0x2;
	[sflag:s14] =	ssyncadd.s32 $0xFFFFD900;
	(pc) =	sbr.rel @p1 .LBB2_1-.Ltmp1, $4  }
0x52: {  	[hbm:s9], [sflag:s6] =	dma.local @!p0 [spmem:s15], $0x100  }
0x53: {  	_ =	swait.ge @!p0 [sflag:s21], $0x100  }
0x54: {  	[sflag:s21] =	ssyncset.done @!p0 $0x0  }
0x55: {  	[sflag:s21] =	ssyncadd.s32 @!p0 $0xFFFFFF00  }
0x56: {  	_ =	sfence.sel $0x180000  }
0x57: {  	[bflag:$0x0] =	sbarrier.arrive $0xFFFF  }
0x58: {  	p0 =	sne.s32 s0, $0x0;
	_ =	strace $0x9000004A  }
0x59: {  	s0 =	sadd.s32 @!p0 $0x100000, s1;
	[bflag:$0x2] =	sbarrier.arrive $0xFFFF  }
0x5a: {  	[sflag:s0] =	ssyncadd.tile.s32 @!p0 $0x1;
	_ =	shalt  }
.Lfunc_end2:
_tile_overlayer_lowered:
.L_overlay_start_2:
0x5b: {  	(tag) =	ssettag $0x2  }
0x5c: {  	s0 =	rddreg [dreg:$0x0];
	s2 =	stileid.u32  }
0x5d: {  	s1 =	rddreg [dreg:$0x1];
	p0 =	sne.s32 s2, $0x0  }
0x5e: {  	s3 =	rddreg [dreg:$0x2];
	[bflag:$0x3] =	sbarrier.arrive $0xFFFF;
	s2 =	simm.s32 @!p0 $0x1C02  }
0x5f: {  	[timem:s3], [sflag:s2] =	dma.local @!p0 [hbm:s0], s1  }
0x60: {  	s0 =	simm.s32 @!p0 $0x2  }
0x61: {  	_ =	swait.ge @!p0 [sflag:s0], s1  }
0x62: {  	s1 =	ssub.s32 @!p0 $0x0, s1;
	[sflag:s0] =	ssyncset.done @!p0 $0x0  }
0x63: {  	[sflag:s0] =	ssyncadd.s32 @!p0 s1  }
0x64: {  	[bflag:$0x3] =	sbarrier.arrive $0xFFFF  }
0x65: {  	_ =	shalt  }

// kernel: kernel.7.cloned.1.call-start
scs
__scs_entry_jumppad:
0x0: {  	(pc) =	sbr.rel $0x88, $3  }
0x1: {  	(tag) =	ssettag $0x0;
	lr =	simm.s32 $0x1  }
0x2: {  	[smem:$0x3F99] =	sst lr;
	_ =	strace $0xD0000000  }
0x3: {  	_ = 	snop  }
0x4: {  	_ = 	snop  }
0x5: {  	_ = 	snop  }
0x6: {  	_ = 	snop  }
0x7: {  	_ = 	snop  }
__scs_overlays_trampoline_lowered:
0x8: {  	[smem:$0x3FA8] =	sst s0  }
0x9: {  	[smem:$0x3FA9] =	sst s1  }
0xa: {  	[smem:$0x3FAA] =	sst s2  }
0xb: {  	[smem:$0x3FAB] =	sst s3  }
0xc: {  	[smem:$0x3FAC] =	sst s4  }
0xd: {  	[smem:$0x3FAD] =	sst s5  }
0xe: {  	[smem:$0x3FAE] =	sst s6  }
0xf: {  	[smem:$0x3FAF] =	sst s7  }
0x10: {  	[smem:$0x3FB0] =	sst s8  }
0x11: {  	[smem:$0x3FB1] =	sst s9;
	s0 =	simm.s32 @!p0 $0x0  }
0x12: {  	s1 =	sld [smem:$0x3F97];
	s0 =	simm.s32 @p0 $0x1  }
0x13: {  	[smem:$0x3FB2] =	sst s0;
	s0 =	simm.s32 @!p1 $0x0  }
0x14: {  	s2 =	sld [smem:$0x3F96];
	s0 =	simm.s32 @p1 $0x1  }
0x15: {  	[smem:$0x3FB3] =	sst s0;
	s0 =	simm.s32 @!p2 $0x0  }
0x16: {  	s3 =	sld [smem:$0x3FDB];
	s0 =	simm.s32 @p2 $0x1  }
0x17: {  	s4 =	simm.s32 $0x1BF5;
	[smem:$0x3FB5] =	sst s0  }
0x18: {  	s0 =	sld [smem:$0x3F98];
	_ =	swait.ge [sflag:s4], $0x0  }
0x19: {  	s7 =	sld [smem:$0x3F99]  }
0x1a: {  	s8 =	sadd.s32 $0xFFFFE003, lr  }
0x1b: {  	s9 =	sadd.s32 $0xFFFFFEF7, lr;
	s5 =	simm.s32 $0xFFFFFFFF;
	p2 =	slt.u32 s8, $0xFFFFF086  }
0x1c: {  	p1 =	slt.u32 s9, $0xF7A;
	s5 =	simm.s32 @!p2 $0x0  }
0x1d: {  	s5 =	simm.s32 @p1 $0x1;
	p0 =	seq.s32 s7, s2  }
0x1e: {  	s7 =	smul.u32 @!p0 $0xF7A, s2;
	p2 =	seq.s32 @!p0 s5, $0x0  }
0x1f: {  	s9 =	smul.u32 $0xF7A, s1;
	s8 =	simm.s32 @!p0 $0x1BF5;
	p2 =	por !p2, p0  }
0x20: {  	[sflag:s8] =	ssyncset.s32 @!p0 $0xFFFFF086;
	s6 =	sadd.s32 @!p0 s3, s7;
	s7 =	simm.s32 @!p0 $0x108  }
0x21: {  	s3 =	sadd.s32 s3, s9;
	s6 =	sadd.s32 @!p0 $0x88, s6;
	s7 =	simm.s32 @p2 $0x1082  }
0x22: {  	[simem:s7], [sflag:s8] =	dma.local @!p0 [hbm:s6], $0xF7A  }
0x23: {  	s9 =	sor.u32 $0xD0000000, s2;
	s6 =	simm.s32 $0x108;
	_ =	swait.ge @!p0 [sflag:s8], $0x0  }
0x24: {  	s3 =	sadd.s32 $0x88, s3;
	s6 =	simm.s32 @!p1 $0x1082;
	[sflag:s4] =	ssyncset.s32 $0xFFFFF086  }
0x25: {  	[simem:s6], [sflag:s4] =	dma.local [hbm:s3], $0xF7A  }
0x26: {  	[smem:$0x3F99] =	sst s1;
	(tag) =	ssettag s2;
	_ =	strace s9  }
0x27: {  	s1 =	sld [smem:$0x3FA9]  }
0x28: {  	s2 =	sld [smem:$0x3FAA]  }
0x29: {  	s4 =	sld [smem:$0x3FAC]  }
0x2a: {  	p0 =	seq.s32 s5, $0x0;
	s5 =	sld [smem:$0x3FAD]  }
0x2b: {  	s6 =	sld [smem:$0x3FAE]  }
0x2c: {  	s7 =	sld [smem:$0x3FAF]  }
0x2d: {  	s3 =	simm.s32 $0x108;
	s8 =	sld [smem:$0x3FB0]  }
0x2e: {  	s3 =	simm.s32 @!p0 $0x1082;
	s9 =	sld [smem:$0x3FB1]  }
0x2f: {  	lr =	sadd.s32 s0, s3;
	s0 =	sld [smem:$0x3FA8]  }
0x30: {  	s3 =	sld [smem:$0x3FAB]  }
0x31: {  	[smem:$0x3FB4] =	sst s10  }
0x32: {  	s10 =	sld [smem:$0x3FB2];
	_ =	sdelay $0x3  }
0x33: {  	p0 =	seq.s32 s10, $0x1;
	s10 =	sld [smem:$0x3FB4];
	_ =	sdelay $0x3  }
0x34: {  	[smem:$0x3FB4] =	sst s10  }
0x35: {  	s10 =	sld [smem:$0x3FB3];
	_ =	sdelay $0x3  }
0x36: {  	p1 =	seq.s32 s10, $0x1;
	s10 =	sld [smem:$0x3FB4];
	_ =	sdelay $0x3  }
0x37: {  	[smem:$0x3FB4] =	sst s10  }
0x38: {  	s10 =	sld [smem:$0x3FB5]  }
0x39: {  	_ = 	snop;
	(pc) =	sbr.ind lr, $3  }
0x3a: {  	_ = 	snop  }
0x3b: {  	_ = 	snop  }
0x3c: {  	p2 =	seq.s32 s10, $0x1;
	s10 =	sld [smem:$0x3FB4]  }
0x3d: {  	_ =	shalt  }
0x3e: {  	_ =	shalt  }
0x3f: {  	_ =	shalt  }
0x40: {  	_ =	shalt  }
0x41: {  	_ =	shalt  }
0x42: {  	_ =	shalt  }
0x43: {  	_ =	shalt  }
0x44: {  	_ =	shalt  }
0x45: {  	_ =	shalt  }
0x46: {  	_ =	shalt  }
0x47: {  	_ =	shalt  }
0x48: {  	_ =	shalt  }
0x49: {  	_ =	shalt  }
0x4a: {  	_ =	shalt  }
0x4b: {  	_ =	shalt  }
0x4c: {  	_ =	shalt  }
0x4d: {  	_ =	shalt  }
0x4e: {  	_ =	shalt  }
0x4f: {  	_ =	shalt  }
0x50: {  	_ =	shalt  }
0x51: {  	_ =	shalt  }
0x52: {  	_ =	shalt  }
0x53: {  	_ =	shalt  }
0x54: {  	_ =	shalt  }
0x55: {  	_ =	shalt  }
0x56: {  	_ =	shalt  }
0x57: {  	_ =	shalt  }
0x58: {  	_ =	shalt  }
0x59: {  	_ =	shalt  }
0x5a: {  	_ =	shalt  }
0x5b: {  	_ =	shalt  }
0x5c: {  	_ =	shalt  }
0x5d: {  	_ =	shalt  }
0x5e: {  	_ =	shalt  }
0x5f: {  	_ =	shalt  }
0x60: {  	_ =	shalt  }
0x61: {  	_ =	shalt  }
0x62: {  	_ =	shalt  }
0x63: {  	_ =	shalt  }
0x64: {  	_ =	shalt  }
0x65: {  	_ =	shalt  }
0x66: {  	_ =	shalt  }
0x67: {  	_ =	shalt  }
0x68: {  	_ =	shalt  }
0x69: {  	_ =	shalt  }
0x6a: {  	_ =	shalt  }
0x6b: {  	_ =	shalt  }
0x6c: {  	_ =	shalt  }
0x6d: {  	_ =	shalt  }
0x6e: {  	_ =	shalt  }
0x6f: {  	_ =	shalt  }
0x70: {  	_ =	shalt  }
0x71: {  	_ =	shalt  }
0x72: {  	_ =	shalt  }
0x73: {  	_ =	shalt  }
0x74: {  	_ =	shalt  }
0x75: {  	_ =	shalt  }
0x76: {  	_ =	shalt  }
0x77: {  	_ =	shalt  }
0x78: {  	_ =	shalt  }
0x79: {  	_ =	shalt  }
0x7a: {  	_ =	shalt  }
0x7b: {  	_ =	shalt  }
0x7c: {  	_ =	shalt  }
0x7d: {  	_ =	shalt  }
0x7e: {  	_ =	shalt  }
0x7f: {  	_ =	shalt  }
0x80: {  	_ =	shalt  }
0x81: {  	_ =	shalt  }
0x82: {  	_ =	shalt  }
0x83: {  	_ =	shalt  }
0x84: {  	_ =	shalt  }
0x85: {  	_ =	shalt  }
0x86: {  	_ =	shalt  }
0x87: {  	_ =	shalt  }
.Lfunc_end0:
.L_simem_size_0:
called_computation_lowered:
.L_overlay_start_0:
0x88: {  	s2 =	sld [smem:$0x3FD9]  }
0x89: {  	s3 =	sld [smem:$0x3FFE];
	_ =	sdelay $0x1  }
0x8a: {  	s1 =	srdreg.scid  }
0x8b: {  	s0 =	sand.u32 $0x1, s1  }
0x8c: {  	s17 =	sshll.u32 s0, $0xA;
	s2 =	sadd.s32 s3, s2  }
0x8d: {  	s2 =	sadd.s32 s2, s17  }
0x8e: {  	[smem:$0x3FC0] =	sst s2  }
0x8f: {  	_ = 	snop  }
0x90: {  	s2 =	sld [smem:$0x3FC9]  }
0x91: {  	s18 =	sld [smem:$0x3FD0];
	(tm) =	ssettm $0x1  }
0x92: {  	s4 =	sld [smem:$0x3FFB];
	_ =	sdelay $0x3  }
0x93: {  	_ =	strace s4  }
0x94: {  	s4 =	sld [smem:$0x3FFC];
	_ =	sdelay $0x3  }
0x95: {  	_ =	strace s4  }
0x96: {  	s4 =	sld [smem:$0x3FFD];
	_ =	sdelay $0x3  }
0x97: {  	_ =	strace s4  }
0x98: {  	_ =	strace $0x8FFFFFFF  }
0x99: {  	s19 =	sld [smem:$0x3FDB];
	_ =	sdelay $0x1  }
0x9a: {  	s5 =	simm.s32 $_scs_section_size  }
0x9b: {  	s6 =	simm.s32 $_size__tile_overlayer_lowered;
	s7 =	simm.s32 $_tile_overlayer_lowered  }
0x9c: {  	s22 =	simm.s32 $0x1BFF;
	s21 =	sshll.u32 s7, $0x1;
	s4 =	sadd.s32 s5, s19  }
0x9d: {  	s8 =	simm.s32 $0x0;
	s20 =	sshll.u32 s6, $0x1;
	s6 =	sadd.s32 s21, s4  }
0x9e: {  	[timem:s8], [sflag:s22] =	dma.local [hbm:s6], s20  }
0x9f: {  	_ =	swait.ge [sflag:s22], s20  }
0xa0: {  	s5 =	ssub.s32 $0x0, s20;
	[sflag:s22] =	ssyncset.done $0x0  }
0xa1: {  	[sflag:s22] =	ssyncadd.s32 s5;
	_ =	sdelay $0x1  }
0xa2: {  	s23 =	simm.s32 $0x1B8B  }
0xa3: {  	_ =	swait.ge [sflag:s23], $0x1  }
0xa4: {  	[sflag:s23] =	ssyncset.done $0x0  }
0xa5: {  	s25 =	simm.s32 $0x1B8E;
	s24 =	sld [smem:$0x3FFE];
	[sflag:s23] =	ssyncadd.s32 $0xFFFFFFFF  }
0xa6: {  	s26 =	simm.s32 $execute0_lowered;
	[smem:$0x3FD2] =	sst s25  }
0xa7: {  	s6 =	sshll.u32 s26, $0x1;
	_ =	strace $0x80000046;
	[dreg:$0x1] =	wrdreg $0xFFFFFFFF  }
0xa8: {  	s28 =	simm.s32 $_size_execute0_lowered;
	s4 =	sadd.s32 s4, s6;
	[dreg:$0x0] =	wrdreg $0x0  }
0xa9: {  	s6 =	sshll.u32 s28, $0x1;
	[dreg:$0x2] =	wrdreg s4  }
0xaa: {  	[dreg:$0x3] =	wrdreg s6  }
0xab: {  	[dreg:$0x4] =	wrdreg $0xC0  }
0xac: {  	_ =	task [dreg:s8], $0x5FFFF  }
0xad: {  	[dreg:$0x1] =	wrdreg $0xFFFFFFFF  }
0xae: {  	[dreg:$0x0] =	wrdreg $0x60  }
0xaf: {  	[dreg:$0x2] =	wrdreg s2  }
0xb0: {  	[dreg:$0x3] =	wrdreg s18  }
0xb1: {  	[dreg:$0x4] =	wrdreg s24  }
0xb2: {  	[dreg:$0x5] =	wrdreg $0x51000  }
0xb3: {  	[dreg:$0x6] =	wrdreg $0x9  }
0xb4: {  	_ =	task.clear_ibuf [dreg:s8], $0x7FFFF;
	_ =	strace $0x90000046  }
0xb5: {  	s29 =	simm.s32 $0x9;
	_ =	strace $0x80000048  }
0xb6: {  	_ =	swait.ge [sflag:s29], $0x1  }
0xb7: {  	[sflag:s29] =	ssyncadd.s32 $0xFFFFFFFF  }
0xb8: {  	_ =	strace $0x90000048  }
0xb9: {  	_ =	sfence  }
0xba: {  	s30 =	sld [smem:$0x0];
	_ =	sdelay $0x2  }
0xbb: {  	s31 =	sshll.u32 s1, $0xD;
	s1 =	sshrl.u32 s1, $0x2  }
0xbc: {  	s3 =	sand.u32 $0x4000, s31;
	s1 =	sadd.s32 s1, s30  }
0xbd: {  	s0 =	sor.u32 s3, s0;
	s1 =	sshll.u32 s1, $0x11  }
0xbe: {  	s0 =	sor.u32 s1, s0  }
0xbf: {  	s0 =	sadd.s32 $0x8F2B, s0  }
0xc0: {  	[sflag:s0] =	ssyncadd.remote.s32 $0x1  }
0xc1: {  	_ =	sfence.sel $0xFFFF  }
0xc2: {  	[dreg:$0x0] =	wrdreg $0xFFFFFFFF;
	(pc) =	sbr.abs _section_cstart, $3  }
0xc3: {  	[dreg:$0x1] =	wrdreg $0xFFFFFFFF  }
0xc4: {  	_ =	task.clear_ibuf [dreg:s8], $0x2FFFF;
	_ =	strace $0x9FFFFFFF  }
0xc5: {  	(tm) =	ssettm $0x7FFFFFFF  }
tec
execute0_lowered:
.L_overlay_start_1:
0x0: {  	(tag) =	ssettag $0x1  }
0x1: {  	s0 =	rddreg [dreg:$0x0]  }
0x2: {  	s7 =	rddreg [dreg:$0x1]  }
0x3: {  	s5 =	rddreg [dreg:$0x2]  }
0x4: {  	s1 =	srdreg.scid;
	s3 =	rddreg [dreg:$0x3]  }
0x5: {  	s4 =	simm.s32 $0x0;
	s18 =	simm.s32 $0x50;
	s19 =	simm.s32 $0x100  }
0x6: {  	s20 =	simm.s32 $0x1;
	s21 =	simm.s32 $0x2900;
	s6 =	sand.u32 $0x1, s1  }
0x7: {  	s22 =	simm.s32 $0x400;
	s1 =	stileid.u32;
	s8 =	smul.u32 $0x27100, s6  }
0x8: {  	[smem:$0x7FF] =	sst s4;
	s24 =	sadd.s32 $0x1FC00, s5;
	s9 =	smul.u32 $0x2710, s1  }
0x9: {  	s17 =	sadd.s32 $0x138000, s3;
	s2 =	sshll.u32 s6, $0x4;
	s25 =	smul.u32 $0x4E000, s1  }
0xa: {  	s11 =	sshll.u32 s1, $0x7;
	s26 =	ssub.s32 $0x2, s6;
	s28 =	smul.u32 $0x2700, s1  }
0xb: {  	s15 =	smul.u32 $0x138800, s6;
	s29 =	sshll.u32 s1, $0x6;
	p0 =	sne.s32 s1, $0xF  }
0xc: {  	s10 =	sor.u32 s1, s2;
	s2 =	rddreg [dreg:$0x4];
	s11 =	sand.u32 $0x380, s11  }
0xd: {  	_ =	strace $0x80000047;
	s14 =	sshrl.u32 s26, $0x1;
	s6 =	sor.u32 $0x1C02, s29  }
0xe: {  	s10 =	sshrl.u32 s10, $0x3;
	s9 =	sadd.s32 s9, s8;
	s14 =	ssub.s32 s26, s14  }
0xf: {  	s30 =	sshrl.u32 s15, $0x3;
	s8 =	sadd.s32 s28, s8;
	s10 =	smul.u32 $0x14000, s10  }
0x10: {  	s15 =	simm.s32 $0x2;
	s9 =	sshrl.u32 s9, $0x3;
	s31 =	sadd.s32 s24, s30  }
0x11: {  	s8 =	sadd.s32 s24, s8;
	s23 =	sor.u32 s11, s10;
	s11 =	sshrl.u32 s25, $0x2  }
0x12: {  	s13 =	sadd.s32 s9, s5;
	s9 =	sshrl.u32 s23, $0x3;
	s16 =	sadd.s32 s11, s3  }
0x13: {  	s11 =	smax.u32 s14, $0x1;
	s23 =	simm.s32 $0x0;
	s12 =	sadd.s32 s9, s5  }
0x14: {  	s5 =	sadd.s32 s7, s28;
	s7 =	sadd.s32 $0x27000, s7;
	s9 =	sadd.s32 $0x27000, s31  }
0x15: {  	s14 =	sshrl.u32 s16, $0x3;
	s16 =	sshrl.u32 @!p0 s17, $0x3;
	s17 =	simm.s32 $0x80  }
0x16: {  	v0 =	vimm.f32 $0.0e+00;
	v1 =	vimm.f32 $1.000000000e+00;
	s10 =	sadd.s32 $0x15C00, s12;
	s12 =	sadd.s32 $0x2000, s13;
	s13 =	sadd.s32 $0xBE00, s13  }
.LBB2_1:
0x17: {  	[spmem:s14], [sflag:s6] =	dma.local [hbm:s5], $0x2700  }
0x18: {  	_ =	swait.ge [sflag:s15], $0x2700  }
0x19: {  	[sflag:s15] =	ssyncset.done $0x0  }
0x1a: {  	s24 =	simm.s32 @!p0 $0x2;
	[sflag:s15] =	ssyncadd.s32 $0xFFFFD900  }
0x1b: {  	[spmem:s16], [sflag:s6] =	dma.local @!p0 [hbm:s7], $0x100  }
0x1c: {  	_ =	swait.ge @!p0 [sflag:s24], $0x100  }
0x1d: {  	[sflag:s24] =	ssyncset.done @!p0 $0x0  }
0x1e: {  	s25 =	simm.s32 $0x0;
	[sflag:s24] =	ssyncadd.s32 @!p0 $0xFFFFFF00;
	s24 =	simm.s32 $0x40  }
.LBB2_2:
0x1f: {  	p1 =	sne.s32 s24, $0x9FC0;
	[tilespmem:s25+$0x2900] =	vst v0;
	s25 =	smov.u32 s24;
	s24 =	sadd.s32 $0x40, s24  }
.Ltmp0:
0x20: {  	(pc) =	sbr.rel @p1 .LBB2_2-.Ltmp0, $2  }
0x21: {  	_ =	sdelay $0x2  }
0x22: {  	s25 =	sshra.s32 s25, $0x2  }
0x23: {  	[tilespmem:s25+$0x2900] =	vst v0  }
0x24: {  	s24 =	simm.s32 $0x0;
	[bflag:$0x0] =	sbarrier.arrive $0xFFFF  }
.LBB2_4:
0x25: {  	s25 =	sadd.s32 s24, s13  }
0x26: {  	[tilespmem:s4], [sflag:$0x2] =	stream.linear.gather [hbm4b:s25+s4], $0x50, $0x38;
	[tilespmem:$0x18980] =	vst v63  }
0x27: {  	_ =	swait.ge [sflag:s15], $0x50  }
0x28: {  	[sflag:s15] =	ssyncset.done $0x0  }
0x29: {  	s31 =	sadd.s32 s24, s12;
	[sflag:s15] =	ssyncadd.s32 $0xFFFFFFB0  }
0x2a: {  	[tilespmem:s17], [sflag:$0x2] =	stream.linear.gather [hbm4b:s31+s4], $0x50, $0x38;
	[tilespmem:$0x18980] =	vst v63  }
0x2b: {  	_ =	swait.ge [sflag:s15], $0x50  }
0x2c: {  	[sflag:s15] =	ssyncset.done $0x0  }
0x2d: {  	[sflag:s15] =	ssyncadd.s32 $0xFFFFFFB0  }
0x2e: {  	[tilespmem:s19], [sflag:$0x1] =	stream.indirect.gather [hbm4b:s0+s18], $0x80, s4, s18, $0xb8;
	[tilespmem:$0x18980] =	vst v63  }
0x2f: {  	_ =	swait.ge [sflag:s20], $0x2800  }
0x30: {  	[sflag:s20] =	ssyncset.done $0x0  }
0x31: {  	[sflag:s20] =	ssyncadd.s32 $0xFFFFD800  }
0x32: {  	[spmem:s3] =	stream.indirect.scatter.add.f32 [tilespmem:s19], [sflag:$0x2], $0x80, s17, s18, $0xb8;
	[tilespmem:$0x18980] =	vst v63  }
0x33: {  	_ =	swait.ge [sflag:s15], $0x2800  }
0x34: {  	[sflag:s15] =	ssyncset.done $0x0  }
0x35: {  	[sflag:s15] =	ssyncadd.s32 $0xFFFFD800  }
0x36: {  	v2 =	vld [tilespmem:$0x80];
	_ =	sdelay $0x7  }
0x37: {  	[tilespmem:v2+s21+$0x0] =	vst.idx.add.f32.msk $0xffff, v1  }
0x38: {  	v2 =	vld [tilespmem:$0x90];
	_ =	sdelay $0x7  }
0x39: {  	[tilespmem:v2+s21+$0x0] =	vst.idx.add.f32.msk $0xffff, v1  }
0x3a: {  	v2 =	vld [tilespmem:$0xA0];
	_ =	sdelay $0x7  }
0x3b: {  	[tilespmem:v2+s21+$0x0] =	vst.idx.add.f32.msk $0xffff, v1  }
0x3c: {  	v2 =	vld [tilespmem:$0xB0];
	_ =	sdelay $0x7  }
0x3d: {  	[tilespmem:v2+s21+$0x0] =	vst.idx.add.f32.msk $0xffff, v1  }
0x3e: {  	v2 =	vld [tilespmem:$0xC0];
	_ =	sdelay $0x2  }
0x3f: {  	p1 =	sne.s32 s24, $0x4D8  }
.Ltmp1:
0x40: {  	_ = 	snop;
	(pc) =	sbr.rel @p1 .LBB2_4-.Ltmp1, $2  }
0x41: {  	_ =	sdelay $0x2  }
0x42: {  	s24 =	sadd.s32 $0xA, s24;
	[tilespmem:v2+s21+$0x0] =	vst.idx.add.f32.msk $0xffff, v1  }
0x43: {  	[bflag:$0x0] =	sbarrier.arrive $0xFFFF  }
0x44: {  	[hbm:s8], [sflag:s6] =	dma.local [spmem:s14], $0x2700  }
0x45: {  	_ =	swait.ge [sflag:s15], $0x2700  }
0x46: {  	[sflag:s15] =	ssyncset.done $0x0  }
0x47: {  	s24 =	simm.s32 @!p0 $0x2;
	[sflag:s15] =	ssyncadd.s32 $0xFFFFD900  }
0x48: {  	[hbm:s9], [sflag:s6] =	dma.local @!p0 [spmem:s16], $0x100  }
0x49: {  	s23 =	sadd.s32 $0x1, s23;
	_ =	swait.ge @!p0 [sflag:s24], $0x100  }
0x4a: {  	p1 =	sne.s32 s23, s11;
	[sflag:s24] =	ssyncset.done @!p0 $0x0  }
.Ltmp2:
0x4b: {  	[sflag:s24] =	ssyncadd.s32 @!p0 $0xFFFFFF00;
	(pc) =	sbr.rel @p1 .LBB2_1-.Ltmp2, $4  }
0x4c: {  	[hbm4b:s10+s17] =	stream.strided.scatter [tilespmem:s21], [sflag:$0x2], $0x2800, s22, s17, $0x38;
	[tilespmem:$0x18980] =	vst v63  }
0x4d: {  	_ =	swait.ge [sflag:s15], $0x2800  }
0x4e: {  	[sflag:s15] =	ssyncset.done $0x0  }
0x4f: {  	[sflag:s15] =	ssyncadd.s32 $0xFFFFD800  }
0x50: {  	_ =	sfence.sel $0x180000  }
0x51: {  	[bflag:$0x0] =	sbarrier.arrive $0xFFFF  }
0x52: {  	p0 =	sne.s32 s1, $0x0;
	_ =	strace $0x90000047  }
0x53: {  	s0 =	sadd.s32 @!p0 $0x100000, s2;
	[bflag:$0x2] =	sbarrier.arrive $0xFFFF  }
0x54: {  	[sflag:s0] =	ssyncadd.tile.s32 @!p0 $0x1;
	_ =	shalt  }
.Lfunc_end2:
_tile_overlayer_lowered:
.L_overlay_start_2:
0x55: {  	(tag) =	ssettag $0x2  }
0x56: {  	s0 =	rddreg [dreg:$0x0];
	s2 =	stileid.u32  }
0x57: {  	s1 =	rddreg [dreg:$0x1];
	p0 =	sne.s32 s2, $0x0  }
0x58: {  	s3 =	rddreg [dreg:$0x2];
	[bflag:$0x3] =	sbarrier.arrive $0xFFFF;
	s2 =	simm.s32 @!p0 $0x1C02  }
0x59: {  	[timem:s3], [sflag:s2] =	dma.local @!p0 [hbm:s0], s1  }
0x5a: {  	s0 =	simm.s32 @!p0 $0x2  }
0x5b: {  	_ =	swait.ge @!p0 [sflag:s0], s1  }
0x5c: {  	s1 =	ssub.s32 @!p0 $0x0, s1;
	[sflag:s0] =	ssyncset.done @!p0 $0x0  }
0x5d: {  	[sflag:s0] =	ssyncadd.s32 @!p0 s1  }
0x5e: {  	[bflag:$0x3] =	sbarrier.arrive $0xFFFF  }
0x5f: {  	_ =	shalt  }

</sc_bundles>
